<compile_context>
chip_gen: v7x
topology: tpu7x:2x2x1
jax: 0.10.2.dev20260603
libtpu: 0.0.44.dev20260713+nightly
codegen_flags: <defaults>
</compile_context>

<pallas_src>
import functools

import jax
import jax.numpy as jnp
from jax.experimental import pallas as pl
from jax.experimental.pallas import tpu as pltpu
from jax.experimental.pallas import tpu_sc as plsc

S, D, H, E = 2048, 768, 12, 8
DH = D // H
F = 4 * D
BQ = 256
BT = 256
NT = S // BT
NF = 4
FB = F // NF
LANEPAD = 128
NP = 2 * S
BT2 = 256
TMAX = 23
TPAD = 32
P = TMAX * BT2
NW = 32

_INTERPRET = False


def _ln_qkv_body(x_ref, g_ref, b_ref, w_ref, bias_ref, out_ref):
    x = x_ref[...]
    m = jnp.mean(x, axis=-1, keepdims=True)
    v = jnp.mean((x - m) * (x - m), axis=-1, keepdims=True)
    h = (x - m) * jax.lax.rsqrt(v + 1e-5) * g_ref[...] + b_ref[...]
    out_ref[...] = (
        jnp.dot(h, w_ref[...], preferred_element_type=jnp.float32) + bias_ref[...]
    )


def _ln_qkv(x, g, b, w, bias):
    return pl.pallas_call(
        _ln_qkv_body,
        grid=(NT,),
        in_specs=[
            pl.BlockSpec((BT, D), lambda i: (i, 0)),
            pl.BlockSpec((1, D), lambda i: (0, 0)),
            pl.BlockSpec((1, D), lambda i: (0, 0)),
            pl.BlockSpec((D, 3 * D), lambda i: (0, 0)),
            pl.BlockSpec((1, 3 * D), lambda i: (0, 0)),
        ],
        out_specs=pl.BlockSpec((BT, 3 * D), lambda i: (i, 0)),
        out_shape=jax.ShapeDtypeStruct((S, 3 * D), jnp.float32),
        interpret=_INTERPRET,
    )(x, g, b, w, bias)


def _attn_body(q_ref, k_ref, v_ref, r_ref, o_ref):
    q = q_ref[0]
    k = k_ref[0]
    logits = jax.lax.dot_general(
        q, k, (((1,), (1,)), ((), ())), preferred_element_type=jnp.float32
    ) * (1.0 / 8.0)
    w = r_ref[0, 0, 0, :]
    m = jnp.broadcast_to(w[None, :], (BQ, BQ + S))
    row = jax.lax.broadcasted_iota(jnp.int32, (BQ, 1), 0)
    shift = 1
    while shift < BQ:
        rolled = pltpu.roll(m, shift, axis=1)
        m = jnp.where((row & shift) != 0, rolled, m)
        shift *= 2
    bias = m[:, BQ - 1 : BQ - 1 + S]
    logits = logits + bias
    mx = jnp.max(logits, axis=-1, keepdims=True)
    p = jnp.exp(logits - mx)
    a = p / jnp.sum(p, axis=-1, keepdims=True)
    o_ref[0] = jnp.dot(a, v_ref[0], preferred_element_type=jnp.float32)


def _attention(q, k, v, rwin):
    return pl.pallas_call(
        _attn_body,
        grid=(H, S // BQ),
        in_specs=[
            pl.BlockSpec((1, BQ, DH), lambda h, i: (h, i, 0)),
            pl.BlockSpec((1, S, DH), lambda h, i: (h, 0, 0)),
            pl.BlockSpec((1, S, DH), lambda h, i: (h, 0, 0)),
            pl.BlockSpec((1, 1, 1, BQ + S), lambda h, i: (h, i, 0, 0)),
        ],
        out_specs=pl.BlockSpec((1, BQ, DH), lambda h, i: (h, i, 0)),
        out_shape=jax.ShapeDtypeStruct((H, S, DH), jnp.float32),
        interpret=_INTERPRET,
    )(q, k, v, rwin)


def _pack_bf16_pair(x):
    xb = x.astype(jnp.bfloat16)
    lo = jax.lax.bitcast_convert_type(xb[:, : D // 2], jnp.uint16).astype(jnp.uint32)
    hi = jax.lax.bitcast_convert_type(xb[:, D // 2 :], jnp.uint16).astype(jnp.uint32)
    return jax.lax.bitcast_convert_type(lo | (hi << 16), jnp.int32)


def _unpack_bf16_pair(p):
    u = jax.lax.bitcast_convert_type(p, jnp.uint32)
    lo = jax.lax.bitcast_convert_type((u & 0xFFFF).astype(jnp.uint16), jnp.bfloat16)
    hi = jax.lax.bitcast_convert_type((u >> 16).astype(jnp.uint16), jnp.bfloat16)
    return jnp.concatenate([lo, hi], axis=1)


def _proj_router_body(
    x_ref, o_ref, wo_ref, bo_ref, g2_ref, b2_ref, wr_ref, ts_ref, wt_ref,
    x2_ref, h2_ref, rl_ref,
):
    x2 = (
        x_ref[...]
        + jnp.dot(o_ref[...], wo_ref[...], preferred_element_type=jnp.float32)
        + bo_ref[...]
    )
    m = jnp.mean(x2, axis=-1, keepdims=True)
    v = jnp.mean((x2 - m) * (x2 - m), axis=-1, keepdims=True)
    h2 = (x2 - m) * jax.lax.rsqrt(v + 1e-5) * g2_ref[...] + b2_ref[...]
    tvec = jnp.dot(ts_ref[...], wt_ref[...], preferred_element_type=jnp.float32)
    rl = jnp.dot(h2, wr_ref[...], preferred_element_type=jnp.float32) + tvec
    x2_ref[...] = x2
    h2_ref[...] = _pack_bf16_pair(h2)
    rl_ref[...] = rl


def _proj_router(x, o, wo, bo, g2, b2, wr_pad, ts, wt_pad):
    return pl.pallas_call(
        _proj_router_body,
        grid=(NT,),
        in_specs=[
            pl.BlockSpec((BT, D), lambda i: (i, 0)),
            pl.BlockSpec((BT, D), lambda i: (i, 0)),
            pl.BlockSpec((D, D), lambda i: (0, 0)),
            pl.BlockSpec((1, D), lambda i: (0, 0)),
            pl.BlockSpec((1, D), lambda i: (0, 0)),
            pl.BlockSpec((1, D), lambda i: (0, 0)),
            pl.BlockSpec((D, LANEPAD), lambda i: (0, 0)),
            pl.BlockSpec((1, D), lambda i: (0, 0)),
            pl.BlockSpec((D, LANEPAD), lambda i: (0, 0)),
        ],
        out_specs=[
            pl.BlockSpec((BT, D), lambda i: (i, 0)),
            pl.BlockSpec((BT, D // 2), lambda i: (i, 0)),
            pl.BlockSpec((BT, LANEPAD), lambda i: (i, 0)),
        ],
        out_shape=[
            jax.ShapeDtypeStruct((S, D), jnp.float32),
            jax.ShapeDtypeStruct((S, D // 2), jnp.int32),
            jax.ShapeDtypeStruct((S, LANEPAD), jnp.float32),
        ],
        interpret=_INTERPRET,
    )(x, o, wo, bo, g2, b2, wr_pad, ts, wt_pad)


def _route_meta_body(rl_ref, diag_ref, pos_ref, meta_ref, tmeta_ref):
    lane = jax.lax.broadcasted_iota(jnp.int32, (S, LANEPAD), 1)
    valid = lane < E
    z = jnp.where(valid, rl_ref[...], -1e30)
    z = z - jnp.max(z, axis=-1, keepdims=True)
    ez = jnp.where(valid, jnp.exp(z), 0.0)
    p = ez / jnp.sum(ez, axis=-1, keepdims=True)
    m1 = jnp.max(p, axis=-1, keepdims=True)
    i1 = jnp.min(jnp.where((p == m1) & valid, lane, LANEPAD), axis=-1, keepdims=True)
    p2 = jnp.where(lane == i1, -1.0, p)
    m2 = jnp.max(p2, axis=-1, keepdims=True)
    i2 = jnp.min(jnp.where((p2 == m2) & valid, lane, LANEPAD), axis=-1, keepdims=True)
    tot = m1 + m2
    g1 = m1 / tot
    g2 = m2 / tot
    gates = jnp.where(lane == i1, g1, 0.0) + jnp.where(lane == i2, g2, 0.0)
    diag_ref[...] = jnp.mean(gates, axis=0, keepdims=True)

    rowi = jax.lax.broadcasted_iota(jnp.int32, (S, 1), 0).astype(jnp.float32)
    hi = jnp.floor(rowi / 256.0)
    lo = rowi - 256.0 * hi
    l0 = lane == 0
    l1 = lane == 1
    l2 = lane == 2
    meta_ref[0:S, :] = (
        jnp.where(l0, hi, 0.0) + jnp.where(l1, lo, 0.0) + jnp.where(l2, g1, 0.0)
    )
    meta_ref[S : 2 * S, :] = (
        jnp.where(l0, hi, 0.0) + jnp.where(l1, lo, 0.0) + jnp.where(l2, g2, 0.0)
    )

    oh1 = jnp.where((lane == i1) & valid, 1.0, 0.0)
    oh2 = jnp.where((lane == i2) & valid, 1.0, 0.0)
    counts = jnp.sum(oh1, axis=0, keepdims=True) + jnp.sum(oh2, axis=0, keepdims=True)

    tiles = jnp.floor((counts + (BT2 - 1)) / BT2)
    uu = jnp.where(
        jax.lax.broadcasted_iota(jnp.int32, (LANEPAD, LANEPAD), 0)
        < jax.lax.broadcasted_iota(jnp.int32, (LANEPAD, LANEPAD), 1),
        1.0,
        0.0,
    )
    tile_start = jnp.dot(tiles, uu, preferred_element_type=jnp.float32)
    row_start = tile_start * BT2
    total_tiles = jnp.sum(tiles, axis=-1, keepdims=True)

    ti = jax.lax.broadcasted_iota(jnp.int32, (TPAD, 1), 0).astype(jnp.float32)
    tl = jax.lax.broadcasted_iota(jnp.int32, (TPAD, LANEPAD), 1)
    cmp = jnp.where((tile_start <= ti) & (tl < E), 1.0, 0.0)
    texp = jnp.sum(cmp, axis=-1, keepdims=True) - 1.0
    texp = jnp.clip(texp, 0.0, float(E - 1))
    lastexp = (
        jnp.sum(jnp.where((tiles > 0) & (tl[:1] < E), 1.0, 0.0), axis=-1, keepdims=True)
        - 1.0
    )
    active = jnp.where(ti < total_tiles, 1.0, 0.0)
    texp = jnp.where(active > 0, texp, jnp.maximum(lastexp, 0.0))
    tmeta_ref[...] = (
        jnp.where(tl == 0, texp.astype(jnp.int32), 0)
        + jnp.where(tl == 1, active.astype(jnp.int32), 0)
    )

    tstrict = jnp.where(
        jax.lax.broadcasted_iota(jnp.int32, (BT2, BT2), 0)
        > jax.lax.broadcasted_iota(jnp.int32, (BT2, BT2), 1),
        1.0,
        0.0,
    )
    carry = jnp.zeros((1, LANEPAD), jnp.float32)
    for b in range(NP // BT2):
        r0 = b * BT2
        if r0 < S:
            ohb = oh1[r0 : r0 + BT2, :]
        else:
            ohb = oh2[r0 - S : r0 - S + BT2, :]
        rank = jnp.dot(tstrict, ohb, preferred_element_type=jnp.float32) + carry
        posb = jnp.sum((rank + row_start) * ohb, axis=-1, keepdims=True)
        pos_ref[r0 : r0 + BT2, :] = posb
        carry = carry + jnp.sum(ohb, axis=0, keepdims=True)


def _route_meta(rlog):
    return pl.pallas_call(
        _route_meta_body,
        out_shape=[
            jax.ShapeDtypeStruct((1, LANEPAD), jnp.float32),
            jax.ShapeDtypeStruct((NP, 1), jnp.float32),
            jax.ShapeDtypeStruct((NP, LANEPAD), jnp.float32),
            jax.ShapeDtypeStruct((TPAD, LANEPAD), jnp.int32),
        ],
        interpret=_INTERPRET,
    )(rlog)


def _permute_body(pos_ref, meta_ref, out_ref):
    t = pl.program_id(0)
    s0 = t * BT2
    srow = (jax.lax.broadcasted_iota(jnp.int32, (BT2, 1), 0) + s0).astype(jnp.float32)
    ind = jnp.where(pos_ref[...] == srow, 1.0, 0.0)
    out_ref[...] = jnp.dot(ind, meta_ref[...], preferred_element_type=jnp.float32)


def _permute(pos_row, meta):
    return pl.pallas_call(
        _permute_body,
        grid=(TMAX,),
        in_specs=[
            pl.BlockSpec((1, NP), lambda t: (0, 0)),
            pl.BlockSpec((NP, LANEPAD), lambda t: (0, 0)),
        ],
        out_specs=pl.BlockSpec((BT2, LANEPAD), lambda t: (t, 0)),
        out_shape=jax.ShapeDtypeStruct((P, LANEPAD), jnp.float32),
        interpret=_INTERPRET,
    )(pos_row, meta)


@functools.lru_cache(maxsize=None)
def _make_sc_gather(n_rows, chunks, n_cols):
    per_w = n_rows // NW
    bufsz = max(sz for _, sz in chunks)
    mesh = plsc.VectorSubcoreMesh(core_axis_name="c", subcore_axis_name="s")

    @functools.partial(
        pl.kernel,
        mesh=mesh,
        out_type=jax.ShapeDtypeStruct((n_rows, n_cols), jnp.int32),
        scratch_types=[
            pltpu.VMEM((bufsz,), jnp.int32),
            pltpu.VMEM((bufsz, n_cols), jnp.int32),
            pltpu.SemaphoreType.DMA,
        ],
    )
    def k(table_hbm, idx_hbm, out_hbm, idx_v, rows_v, sem):
        wid = jax.lax.axis_index("s") * 2 + jax.lax.axis_index("c")
        base = wid * per_w
        for off, sz in chunks:
            pltpu.sync_copy(
                idx_hbm.at[pl.ds(base + off, sz)], idx_v.at[pl.ds(0, sz)]
            )
            pltpu.async_copy(
                table_hbm.at[idx_v.at[pl.ds(0, sz)]],
                rows_v.at[pl.ds(0, sz)],
                sem,
            ).wait()
            pltpu.sync_copy(
                rows_v.at[pl.ds(0, sz)], out_hbm.at[pl.ds(base + off, sz)]
            )

    return k


def _ffn_body(m_ref, g_ref, gate_ref, w1_ref, b1_ref, w2_ref, b2_ref, out_ref):
    t = pl.program_id(0)
    active = m_ref[t, 1]

    @pl.when(active == 1)
    def _compute():
        g = gate_ref[0, 0][:, None]
        h = _unpack_bf16_pair(g_ref[...])
        h1 = jnp.dot(h, w1_ref[0], preferred_element_type=jnp.float32) + b1_ref[0]
        h1 = jax.nn.gelu(h1).astype(jnp.bfloat16)
        eo = jnp.dot(h1, w2_ref[0], preferred_element_type=jnp.float32) + b2_ref[0]
        out_ref[...] = _pack_bf16_pair(g * eo)


def _ffn(tmeta2, gathered, gate3d, w1, b1, w2, b2):
    grid_spec = pltpu.PrefetchScalarGridSpec(
        num_scalar_prefetch=1,
        grid=(TMAX,),
        in_specs=[
            pl.BlockSpec((BT2, D // 2), lambda t, m: (t, 0)),
            pl.BlockSpec((1, 1, BT2), lambda t, m: (t, 0, 0)),
            pl.BlockSpec((1, D, F), lambda t, m: (m[t, 0], 0, 0)),
            pl.BlockSpec((1, 1, F), lambda t, m: (m[t, 0], 0, 0)),
            pl.BlockSpec((1, F, D), lambda t, m: (m[t, 0], 0, 0)),
            pl.BlockSpec((1, 1, D), lambda t, m: (m[t, 0], 0, 0)),
        ],
        out_specs=pl.BlockSpec((BT2, D // 2), lambda t, m: (t, 0)),
    )
    return pl.pallas_call(
        _ffn_body,
        grid_spec=grid_spec,
        out_shape=jax.ShapeDtypeStruct((P, D // 2), jnp.int32),
        interpret=_INTERPRET,
    )(tmeta2, gathered, gate3d, w1, b1, w2, b2)


def _combine_body(x2_ref, ca_ref, cb_ref, y_ref):
    y_ref[...] = (
        x2_ref[...]
        + _unpack_bf16_pair(ca_ref[...]).astype(jnp.float32)
        + _unpack_bf16_pair(cb_ref[...]).astype(jnp.float32)
    )


def _combine(x2, comb):
    return pl.pallas_call(
        _combine_body,
        grid=(NT,),
        in_specs=[
            pl.BlockSpec((BT, D), lambda i: (i, 0)),
            pl.BlockSpec((BT, D // 2), lambda i: (i, 0)),
            pl.BlockSpec((BT, D // 2), lambda i: (i + NT, 0)),
        ],
        out_specs=pl.BlockSpec((BT, D), lambda i: (i, 0)),
        out_shape=jax.ShapeDtypeStruct((S, D), jnp.float32),
        interpret=_INTERPRET,
    )(x2, comb, comb)


def _sc_gather_h2(table, idx):
    return _make_sc_gather(P, ((0, 96), (96, 88)), D // 2)(table, idx)


def _sc_gather_eo(table, idx):
    return _make_sc_gather(NP, ((0, 128),), D // 2)(table, idx)


@jax.jit
def _run(x, text_state, Wqkv, bqkv, Wo, bo, rel_bias, ln1_g, ln1_b, Wr, Wt,
         ln2_g, ln2_b, W1, b1, W2, b2):
    x2d = x[0]
    qkv = _ln_qkv(
        x2d, ln1_g.reshape(1, D), ln1_b.reshape(1, D), Wqkv, bqkv.reshape(1, 3 * D)
    )
    q = qkv[:, :D].reshape(S, H, DH).transpose(1, 0, 2)
    k = qkv[:, D : 2 * D].reshape(S, H, DH).transpose(1, 0, 2)
    v = qkv[:, 2 * D :].reshape(S, H, DH).transpose(1, 0, 2)
    rrev = jnp.pad(rel_bias[:, ::-1], ((0, 0), (0, 1)))
    rwin = jnp.stack(
        [rrev[:, (S // BQ - 1 - qi) * BQ : (S // BQ - 1 - qi) * BQ + BQ + S]
         for qi in range(S // BQ)],
        axis=1,
    )[:, :, None, :]
    o = _attention(q, k, v, rwin)
    o2 = o.transpose(1, 0, 2).reshape(S, D)
    wr_pad = jnp.pad(Wr, ((0, 0), (0, LANEPAD - E)))
    wt_pad = jnp.pad(Wt, ((0, 0), (0, LANEPAD - E)))
    x2, h2, rlog = _proj_router(
        x2d, o2, Wo, bo.reshape(1, D), ln2_g.reshape(1, D), ln2_b.reshape(1, D),
        wr_pad, text_state, wt_pad,
    )
    diag, pos, meta, tmeta = _route_meta(rlog)
    perm = _permute(pos.reshape(1, NP), meta)
    perm_tok = (perm[:, 0] * 256.0 + perm[:, 1]).astype(jnp.int32)
    gate3d = perm[:, 2].reshape(TMAX, 1, BT2)
    pos_i32 = pos.reshape(NP).astype(jnp.int32)
    gathered = _sc_gather_h2(h2, perm_tok)
    eo = _ffn(tmeta[:, :2], gathered, gate3d, W1.astype(jnp.bfloat16),
              b1.reshape(E, 1, F), W2.astype(jnp.bfloat16),
              b2.reshape(E, 1, D))
    comb = _sc_gather_eo(eo, pos_i32)
    y = _combine(x2, comb)
    return y[None], diag[0, :E]


def kernel(x, text_state, Wqkv, bqkv, Wo, bo, rel_bias, ln1_g, ln1_b, Wr, Wt,
           ln2_g, ln2_b, W1, b1, W2, b2):
    return _run(x, text_state, Wqkv, bqkv, Wo, bo, rel_bias, ln1_g, ln1_b,
                Wr, Wt, ln2_g, ln2_b, W1, b1, W2, b2)

# --- scband reference (transcript-rebuilt; emitter-appended) ---
"""Pipeline reference for scband-temporal-mo-eblock-85950885527617 (READ-ONLY COPY).

The authoritative reference and input builder live on the scoring server;
editing this copy changes nothing except your own understanding.
"""

import jax, jax.numpy as jnp
import numpy as np

B, S, D, H, E, K = 1, 2048, 768, 12, 8, 2
DH = D // H
F = 4 * D


def _ln(x, g, b):
    m = jnp.mean(x, axis=-1, keepdims=True)
    v = jnp.var(x, axis=-1, keepdims=True)
    return (x - m) / jnp.sqrt(v + 1e-5) * g + b


def setup_inputs(seed: int = 0) -> dict:
    key = jax.random.key(seed)
    ks = jax.random.split(key, 16)
    s = 0.02
    return {
        "x": jax.random.normal(ks[0], (B, S, D), dtype=jnp.float32),
        "text_state": jax.random.normal(ks[1], (B, D), dtype=jnp.float32),
        "Wqkv": jax.random.normal(ks[2], (D, 3 * D), dtype=jnp.float32) * s,
        "bqkv": jnp.zeros((3 * D,), dtype=jnp.float32),
        "Wo": jax.random.normal(ks[3], (D, D), dtype=jnp.float32) * s,
        "bo": jnp.zeros((D,), dtype=jnp.float32),
        "rel_bias": jax.random.normal(ks[4], (H, 2 * S - 1), dtype=jnp.float32) * s,
        "ln1_g": jnp.ones((D,), dtype=jnp.float32),
        "ln1_b": jnp.zeros((D,), dtype=jnp.float32),
        "Wr": jax.random.normal(ks[5], (D, E), dtype=jnp.float32) * s,
        "Wt": jax.random.normal(ks[6], (D, E), dtype=jnp.float32) * s,
        "ln2_g": jnp.ones((D,), dtype=jnp.float32),
        "ln2_b": jnp.zeros((D,), dtype=jnp.float32),
        "W1": jax.random.normal(ks[7], (E, D, F), dtype=jnp.float32) * s,
        "b1": jnp.zeros((E, F), dtype=jnp.float32),
        "W2": jax.random.normal(ks[8], (E, F, D), dtype=jnp.float32) * s,
        "b2": jnp.zeros((E, D), dtype=jnp.float32),
    }


def reference(x, text_state, Wqkv, bqkv, Wo, bo, rel_bias, ln1_g, ln1_b, Wr, Wt, ln2_g, ln2_b, W1, b1, W2, b2):
    # --- TemporalBiasMultiHeadSelfAttention (pre-LN, residual) ---
    h = _ln(x, ln1_g, ln1_b)
    qkv = h @ Wqkv + bqkv
    q, k, v = jnp.split(qkv, 3, axis=-1)
    q = q.reshape(B, S, H, DH).transpose(0, 2, 1, 3)
    k = k.reshape(B, S, H, DH).transpose(0, 2, 1, 3)
    v = v.reshape(B, S, H, DH).transpose(0, 2, 1, 3)
    logits = jnp.einsum("bhqd,bhkd->bhqk", q, k) / jnp.sqrt(jnp.float32(DH))
    pos = jnp.arange(S)
    rel = pos[None, :] - pos[:, None] + (S - 1)  # [S, S] relative-distance indices
    bias = rel_bias[:, rel]  # gather -> [H, S, S] learned temporal bias
    logits = logits + bias[None]
    a = jax.nn.softmax(logits, axis=-1)
    o = jnp.einsum("bhqk,bhkd->bhqd", a, v).transpose(0, 2, 1, 3).reshape(B, S, D)
    x = x + o @ Wo + bo
    # --- MoEFeedForward with text_state-conditioned router (pre-LN, residual) ---
    h2 = _ln(x, ln2_g, ln2_b)
    rlog = h2 @ Wr + (text_state @ Wt)[:, None, :]  # [B, S, E]
    probs = jax.nn.softmax(rlog, axis=-1)
    topv, topi = jax.lax.top_k(probs, K)
    topv = topv / jnp.sum(topv, axis=-1, keepdims=True)
    gates = jnp.sum(jax.nn.one_hot(topi, E, dtype=x.dtype) * topv[..., None], axis=-2)  # [B, S, E]
    hf = h2.reshape(B * S, D)
    gf = gates.reshape(B * S, E)
    h1 = jnp.einsum("td,edf->etf", hf, W1) + b1[:, None, :]
    h1 = jax.nn.gelu(h1)
    eo = jnp.einsum("etf,efd->etd", h1, W2) + b2[:, None, :]
    moe = jnp.einsum("te,etd->td", gf, eo).reshape(B, S, D)
    y = x + moe
    diag = jnp.mean(gf, axis=0)  # per-expert load [E]
    return (y, diag)

if __name__ == "__main__":
    import jax
    _d = setup_inputs()
    print(jax.jit(kernel)(*tuple(_d.values())))

</pallas_src>

<mosaic_0001>
#map = affine_map<(d0, d1) -> (0, 0)>
#map1 = affine_map<(d0, d1) -> (0)>
module attributes {stable_mosaic.version = 14 : i64} {
  func.func @k(%arg0: i32, %arg1: i32, %arg2: memref<5888x384xi32, #tpu.memory_space<hbm>>, %arg3: memref<4096xi32, #tpu.memory_space<hbm>>, %arg4: memref<4096x384xi32, #tpu.memory_space<hbm>>, %arg5: memref<128xi32, #tpu.memory_space<vmem>>, %arg6: memref<128x384xi32, #tpu.memory_space<vmem>>, %arg7: memref<!tpu.dma_semaphore, #tpu.memory_space<semaphore_mem>>) attributes {dimension_semantics = [#tpu.dimension_semantics<core_parallel>, #tpu.dimension_semantics<subcore_parallel>], iteration_bounds = array<i64: 2, 16>, scalar_prefetch = 0 : i64, scratch_operands = 3 : i64, tpu.core_type = #tpu.core_type<sc_vector_subcore>, window_params = [{transform_indices = #map}, {transform_indices = #map1}, {transform_indices = #map}]} {
    %mul3A = arith.constant 2 : i32
    %mul3A_0 = arith.muli %arg1, %mul3A : i32
    %add3A = arith.addi %mul3A_0, %arg0 : i32
    %mul3A_1 = arith.constant 128 : i32
    %mul3A_2 = arith.muli %add3A, %mul3A_1 : i32
    %add3A_3 = arith.constant 0 : i32
    %add3A_4 = arith.addi %mul3A_2, %add3A_3 : i32
    "tpu.region"() ({
      %run_scoped3A = tpu.sem_alloc : memref<!tpu.dma_semaphore, #tpu.memory_space<semaphore_mem>>
      %dma_start3A_21 = arith.constant 0 : i32
      %dma_start3A_22 = tpu.memref_slice %arg5[%dma_start3A_21] : memref<128xi32, #tpu.memory_space<vmem>> -> memref<128xi32, #tpu.memory_space<vmem>>
      %dma_start3A_23 = tpu.memref_slice %arg3[%add3A_4] : memref<4096xi32, #tpu.memory_space<hbm>> -> memref<128xi32, #tpu.memory_space<hbm>>
      %dma_start3A_24 = arith.constant 0 : i32
      %dma_start3A_25 = tpu.memref_slice %arg5[%dma_start3A_24] : memref<128xi32, #tpu.memory_space<vmem>> -> memref<128xi32, #tpu.memory_space<vmem>>
      %dma_start3A_26 = tpu.memref_slice %arg3[%add3A_4] : memref<4096xi32, #tpu.memory_space<hbm>> -> memref<128xi32, #tpu.memory_space<hbm>>
      tpu.enqueue_dma source(%dma_start3A_26 : memref<128xi32, #tpu.memory_space<hbm>>) target(%dma_start3A_25 : memref<128xi32, #tpu.memory_space<vmem>>) target_semaphore(%run_scoped3A : memref<!tpu.dma_semaphore, #tpu.memory_space<semaphore_mem>>)
      %dma_wait3A_27 = arith.constant 0 : i32
      %dma_wait3A_28 = tpu.memref_slice %arg5[%dma_wait3A_27] : memref<128xi32, #tpu.memory_space<vmem>> -> memref<128xi32, #tpu.memory_space<vmem>>
      %dma_wait3A_29 = tpu.memref_slice %arg3[%add3A_4] : memref<4096xi32, #tpu.memory_space<hbm>> -> memref<128xi32, #tpu.memory_space<hbm>>
      %dma_wait3A_30 = arith.constant 0 : i32
      %dma_wait3A_31 = tpu.memref_slice %arg5[%dma_wait3A_30] : memref<128xi32, #tpu.memory_space<vmem>> -> memref<128xi32, #tpu.memory_space<vmem>>
      %dma_wait3A_32 = tpu.memref_slice %arg3[%add3A_4] : memref<4096xi32, #tpu.memory_space<hbm>> -> memref<128xi32, #tpu.memory_space<hbm>>
      tpu.wait_dma2 semaphore(%run_scoped3A : memref<!tpu.dma_semaphore, #tpu.memory_space<semaphore_mem>>) src(%dma_wait3A_32 : memref<128xi32, #tpu.memory_space<hbm>>) dst(%dma_wait3A_31 : memref<128xi32, #tpu.memory_space<vmem>>)
      tpu.yield
    }) : () -> ()
    %dma_start3A = arith.constant 0 : i32
    %dma_start3A_5 = arith.constant 0 : i32
    %dma_start3A_6 = tpu.memref_slice %arg6[%dma_start3A, %dma_start3A_5] : memref<128x384xi32, #tpu.memory_space<vmem>> -> memref<128x384xi32, #tpu.memory_space<vmem>>
    %dma_start3A_7 = arith.constant 0 : i32
    %dma_start3A_8 = tpu.memref_slice %arg5[%dma_start3A_7] : memref<128xi32, #tpu.memory_space<vmem>> -> memref<128xi32, #tpu.memory_space<vmem>>
    %dma_start3A_9 = arith.constant 0 : i32
    %dma_start3A_10 = arith.constant 0 : i32
    %dma_start3A_11 = tpu.memref_slice %arg2[%dma_start3A_9, %dma_start3A_10] : memref<5888x384xi32, #tpu.memory_space<hbm>> -> memref<5888x384xi32, #tpu.memory_space<hbm>>
    tpu.enqueue_indirect_dma source(%dma_start3A_11 : memref<5888x384xi32, #tpu.memory_space<hbm>>) target(%dma_start3A_6 : memref<128x384xi32, #tpu.memory_space<vmem>>) offsets(%dma_start3A_8 : memref<128xi32, #tpu.memory_space<vmem>>) semaphore(%arg7 : memref<!tpu.dma_semaphore, #tpu.memory_space<semaphore_mem>>)
    %dma_wait3A = arith.constant 0 : i32
    %dma_wait3A_12 = arith.constant 0 : i32
    %dma_wait3A_13 = tpu.memref_slice %arg6[%dma_wait3A, %dma_wait3A_12] : memref<128x384xi32, #tpu.memory_space<vmem>> -> memref<128x384xi32, #tpu.memory_space<vmem>>
    %dma_wait3A_14 = arith.constant 0 : i32
    %dma_wait3A_15 = tpu.memref_slice %arg5[%dma_wait3A_14] : memref<128xi32, #tpu.memory_space<vmem>> -> memref<128xi32, #tpu.memory_space<vmem>>
    %dma_wait3A_16 = arith.constant 0 : i32
    %dma_wait3A_17 = arith.constant 0 : i32
    %dma_wait3A_18 = tpu.memref_slice %arg2[%dma_wait3A_16, %dma_wait3A_17] : memref<5888x384xi32, #tpu.memory_space<hbm>> -> memref<5888x384xi32, #tpu.memory_space<hbm>>
    tpu.wait_indirect_dma semaphore(%arg7 : memref<!tpu.dma_semaphore, #tpu.memory_space<semaphore_mem>>) src(%dma_wait3A_18 : memref<5888x384xi32, #tpu.memory_space<hbm>>) dst(%dma_wait3A_13 : memref<128x384xi32, #tpu.memory_space<vmem>>)
    %add3A_19 = arith.constant 0 : i32
    %add3A_20 = arith.addi %mul3A_2, %add3A_19 : i32
    "tpu.region"() ({
      %run_scoped3A = tpu.sem_alloc : memref<!tpu.dma_semaphore, #tpu.memory_space<semaphore_mem>>
      %dma_start3A_21 = arith.constant 0 : i32
      %dma_start3A_22 = arith.constant 0 : i32
      %dma_start3A_23 = tpu.memref_slice %arg6[%dma_start3A_21, %dma_start3A_22] : memref<128x384xi32, #tpu.memory_space<vmem>> -> memref<128x384xi32, #tpu.memory_space<vmem>>
      %dma_start3A_24 = arith.constant 0 : i32
      %dma_start3A_25 = tpu.memref_slice %arg4[%add3A_20, %dma_start3A_24] : memref<4096x384xi32, #tpu.memory_space<hbm>> -> memref<128x384xi32, #tpu.memory_space<hbm>>
      %dma_start3A_26 = arith.constant 0 : i32
      %dma_start3A_27 = tpu.memref_slice %arg4[%add3A_20, %dma_start3A_26] : memref<4096x384xi32, #tpu.memory_space<hbm>> -> memref<128x384xi32, #tpu.memory_space<hbm>>
      %dma_start3A_28 = arith.constant 0 : i32
      %dma_start3A_29 = arith.constant 0 : i32
      %dma_start3A_30 = tpu.memref_slice %arg6[%dma_start3A_28, %dma_start3A_29] : memref<128x384xi32, #tpu.memory_space<vmem>> -> memref<128x384xi32, #tpu.memory_space<vmem>>
      tpu.enqueue_dma source(%dma_start3A_30 : memref<128x384xi32, #tpu.memory_space<vmem>>) target(%dma_start3A_27 : memref<128x384xi32, #tpu.memory_space<hbm>>) target_semaphore(%run_scoped3A : memref<!tpu.dma_semaphore, #tpu.memory_space<semaphore_mem>>)
      %dma_wait3A_31 = arith.constant 0 : i32
      %dma_wait3A_32 = arith.constant 0 : i32
      %dma_wait3A_33 = tpu.memref_slice %arg6[%dma_wait3A_31, %dma_wait3A_32] : memref<128x384xi32, #tpu.memory_space<vmem>> -> memref<128x384xi32, #tpu.memory_space<vmem>>
      %dma_wait3A_34 = arith.constant 0 : i32
      %dma_wait3A_35 = tpu.memref_slice %arg4[%add3A_20, %dma_wait3A_34] : memref<4096x384xi32, #tpu.memory_space<hbm>> -> memref<128x384xi32, #tpu.memory_space<hbm>>
      %dma_wait3A_36 = arith.constant 0 : i32
      %dma_wait3A_37 = tpu.memref_slice %arg4[%add3A_20, %dma_wait3A_36] : memref<4096x384xi32, #tpu.memory_space<hbm>> -> memref<128x384xi32, #tpu.memory_space<hbm>>
      %dma_wait3A_38 = arith.constant 0 : i32
      %dma_wait3A_39 = arith.constant 0 : i32
      %dma_wait3A_40 = tpu.memref_slice %arg6[%dma_wait3A_38, %dma_wait3A_39] : memref<128x384xi32, #tpu.memory_space<vmem>> -> memref<128x384xi32, #tpu.memory_space<vmem>>
      tpu.wait_dma2 semaphore(%run_scoped3A : memref<!tpu.dma_semaphore, #tpu.memory_space<semaphore_mem>>) src(%dma_wait3A_40 : memref<128x384xi32, #tpu.memory_space<vmem>>) dst(%dma_wait3A_37 : memref<128x384xi32, #tpu.memory_space<hbm>>)
      tpu.yield
    }) : () -> ()
    return
  }
}

#map = affine_map<(d0, d1) -> (0, 0)>
#map1 = affine_map<(d0, d1) -> (0)>
module attributes {stable_mosaic.version = 14 : i64} {
  func.func @k(%arg0: i32, %arg1: i32, %arg2: memref<2048x384xi32, #tpu.memory_space<hbm>>, %arg3: memref<5888xi32, #tpu.memory_space<hbm>>, %arg4: memref<5888x384xi32, #tpu.memory_space<hbm>>, %arg5: memref<96xi32, #tpu.memory_space<vmem>>, %arg6: memref<96x384xi32, #tpu.memory_space<vmem>>, %arg7: memref<!tpu.dma_semaphore, #tpu.memory_space<semaphore_mem>>) attributes {dimension_semantics = [#tpu.dimension_semantics<core_parallel>, #tpu.dimension_semantics<subcore_parallel>], iteration_bounds = array<i64: 2, 16>, scalar_prefetch = 0 : i64, scratch_operands = 3 : i64, tpu.core_type = #tpu.core_type<sc_vector_subcore>, window_params = [{transform_indices = #map}, {transform_indices = #map1}, {transform_indices = #map}]} {
    %mul3A = arith.constant 2 : i32
    %mul3A_0 = arith.muli %arg1, %mul3A : i32
    %add3A = arith.addi %mul3A_0, %arg0 : i32
    %mul3A_1 = arith.constant 184 : i32
    %mul3A_2 = arith.muli %add3A, %mul3A_1 : i32
    %add3A_3 = arith.constant 0 : i32
    %add3A_4 = arith.addi %mul3A_2, %add3A_3 : i32
    "tpu.region"() ({
      %run_scoped3A = tpu.sem_alloc : memref<!tpu.dma_semaphore, #tpu.memory_space<semaphore_mem>>
      %dma_start3A_41 = arith.constant 0 : i32
      %dma_start3A_42 = tpu.memref_slice %arg5[%dma_start3A_41] : memref<96xi32, #tpu.memory_space<vmem>> -> memref<96xi32, #tpu.memory_space<vmem>>
      %dma_start3A_43 = tpu.memref_slice %arg3[%add3A_4] : memref<5888xi32, #tpu.memory_space<hbm>> -> memref<96xi32, #tpu.memory_space<hbm>>
      %dma_start3A_44 = arith.constant 0 : i32
      %dma_start3A_45 = tpu.memref_slice %arg5[%dma_start3A_44] : memref<96xi32, #tpu.memory_space<vmem>> -> memref<96xi32, #tpu.memory_space<vmem>>
      %dma_start3A_46 = tpu.memref_slice %arg3[%add3A_4] : memref<5888xi32, #tpu.memory_space<hbm>> -> memref<96xi32, #tpu.memory_space<hbm>>
      tpu.enqueue_dma source(%dma_start3A_46 : memref<96xi32, #tpu.memory_space<hbm>>) target(%dma_start3A_45 : memref<96xi32, #tpu.memory_space<vmem>>) target_semaphore(%run_scoped3A : memref<!tpu.dma_semaphore, #tpu.memory_space<semaphore_mem>>)
      %dma_wait3A_47 = arith.constant 0 : i32
      %dma_wait3A_48 = tpu.memref_slice %arg5[%dma_wait3A_47] : memref<96xi32, #tpu.memory_space<vmem>> -> memref<96xi32, #tpu.memory_space<vmem>>
      %dma_wait3A_49 = tpu.memref_slice %arg3[%add3A_4] : memref<5888xi32, #tpu.memory_space<hbm>> -> memref<96xi32, #tpu.memory_space<hbm>>
      %dma_wait3A_50 = arith.constant 0 : i32
      %dma_wait3A_51 = tpu.memref_slice %arg5[%dma_wait3A_50] : memref<96xi32, #tpu.memory_space<vmem>> -> memref<96xi32, #tpu.memory_space<vmem>>
      %dma_wait3A_52 = tpu.memref_slice %arg3[%add3A_4] : memref<5888xi32, #tpu.memory_space<hbm>> -> memref<96xi32, #tpu.memory_space<hbm>>
      tpu.wait_dma2 semaphore(%run_scoped3A : memref<!tpu.dma_semaphore, #tpu.memory_space<semaphore_mem>>) src(%dma_wait3A_52 : memref<96xi32, #tpu.memory_space<hbm>>) dst(%dma_wait3A_51 : memref<96xi32, #tpu.memory_space<vmem>>)
      tpu.yield
    }) : () -> ()
    %dma_start3A = arith.constant 0 : i32
    %dma_start3A_5 = arith.constant 0 : i32
    %dma_start3A_6 = tpu.memref_slice %arg6[%dma_start3A, %dma_start3A_5] : memref<96x384xi32, #tpu.memory_space<vmem>> -> memref<96x384xi32, #tpu.memory_space<vmem>>
    %dma_start3A_7 = arith.constant 0 : i32
    %dma_start3A_8 = tpu.memref_slice %arg5[%dma_start3A_7] : memref<96xi32, #tpu.memory_space<vmem>> -> memref<96xi32, #tpu.memory_space<vmem>>
    %dma_start3A_9 = arith.constant 0 : i32
    %dma_start3A_10 = arith.constant 0 : i32
    %dma_start3A_11 = tpu.memref_slice %arg2[%dma_start3A_9, %dma_start3A_10] : memref<2048x384xi32, #tpu.memory_space<hbm>> -> memref<2048x384xi32, #tpu.memory_space<hbm>>
    tpu.enqueue_indirect_dma source(%dma_start3A_11 : memref<2048x384xi32, #tpu.memory_space<hbm>>) target(%dma_start3A_6 : memref<96x384xi32, #tpu.memory_space<vmem>>) offsets(%dma_start3A_8 : memref<96xi32, #tpu.memory_space<vmem>>) semaphore(%arg7 : memref<!tpu.dma_semaphore, #tpu.memory_space<semaphore_mem>>)
    %dma_wait3A = arith.constant 0 : i32
    %dma_wait3A_12 = arith.constant 0 : i32
    %dma_wait3A_13 = tpu.memref_slice %arg6[%dma_wait3A, %dma_wait3A_12] : memref<96x384xi32, #tpu.memory_space<vmem>> -> memref<96x384xi32, #tpu.memory_space<vmem>>
    %dma_wait3A_14 = arith.constant 0 : i32
    %dma_wait3A_15 = tpu.memref_slice %arg5[%dma_wait3A_14] : memref<96xi32, #tpu.memory_space<vmem>> -> memref<96xi32, #tpu.memory_space<vmem>>
    %dma_wait3A_16 = arith.constant 0 : i32
    %dma_wait3A_17 = arith.constant 0 : i32
    %dma_wait3A_18 = tpu.memref_slice %arg2[%dma_wait3A_16, %dma_wait3A_17] : memref<2048x384xi32, #tpu.memory_space<hbm>> -> memref<2048x384xi32, #tpu.memory_space<hbm>>
    tpu.wait_indirect_dma semaphore(%arg7 : memref<!tpu.dma_semaphore, #tpu.memory_space<semaphore_mem>>) src(%dma_wait3A_18 : memref<2048x384xi32, #tpu.memory_space<hbm>>) dst(%dma_wait3A_13 : memref<96x384xi32, #tpu.memory_space<vmem>>)
    %add3A_19 = arith.constant 0 : i32
    %add3A_20 = arith.addi %mul3A_2, %add3A_19 : i32
    "tpu.region"() ({
      %run_scoped3A = tpu.sem_alloc : memref<!tpu.dma_semaphore, #tpu.memory_space<semaphore_mem>>
      %dma_start3A_41 = arith.constant 0 : i32
      %dma_start3A_42 = arith.constant 0 : i32
      %dma_start3A_43 = tpu.memref_slice %arg6[%dma_start3A_41, %dma_start3A_42] : memref<96x384xi32, #tpu.memory_space<vmem>> -> memref<96x384xi32, #tpu.memory_space<vmem>>
      %dma_start3A_44 = arith.constant 0 : i32
      %dma_start3A_45 = tpu.memref_slice %arg4[%add3A_20, %dma_start3A_44] : memref<5888x384xi32, #tpu.memory_space<hbm>> -> memref<96x384xi32, #tpu.memory_space<hbm>>
      %dma_start3A_46 = arith.constant 0 : i32
      %dma_start3A_47 = tpu.memref_slice %arg4[%add3A_20, %dma_start3A_46] : memref<5888x384xi32, #tpu.memory_space<hbm>> -> memref<96x384xi32, #tpu.memory_space<hbm>>
      %dma_start3A_48 = arith.constant 0 : i32
      %dma_start3A_49 = arith.constant 0 : i32
      %dma_start3A_50 = tpu.memref_slice %arg6[%dma_start3A_48, %dma_start3A_49] : memref<96x384xi32, #tpu.memory_space<vmem>> -> memref<96x384xi32, #tpu.memory_space<vmem>>
      tpu.enqueue_dma source(%dma_start3A_50 : memref<96x384xi32, #tpu.memory_space<vmem>>) target(%dma_start3A_47 : memref<96x384xi32, #tpu.memory_space<hbm>>) target_semaphore(%run_scoped3A : memref<!tpu.dma_semaphore, #tpu.memory_space<semaphore_mem>>)
      %dma_wait3A_51 = arith.constant 0 : i32
      %dma_wait3A_52 = arith.constant 0 : i32
      %dma_wait3A_53 = tpu.memref_slice %arg6[%dma_wait3A_51, %dma_wait3A_52] : memref<96x384xi32, #tpu.memory_space<vmem>> -> memref<96x384xi32, #tpu.memory_space<vmem>>
      %dma_wait3A_54 = arith.constant 0 : i32
      %dma_wait3A_55 = tpu.memref_slice %arg4[%add3A_20, %dma_wait3A_54] : memref<5888x384xi32, #tpu.memory_space<hbm>> -> memref<96x384xi32, #tpu.memory_space<hbm>>
      %dma_wait3A_56 = arith.constant 0 : i32
      %dma_wait3A_57 = tpu.memref_slice %arg4[%add3A_20, %dma_wait3A_56] : memref<5888x384xi32, #tpu.memory_space<hbm>> -> memref<96x384xi32, #tpu.memory_space<hbm>>
      %dma_wait3A_58 = arith.constant 0 : i32
      %dma_wait3A_59 = arith.constant 0 : i32
      %dma_wait3A_60 = tpu.memref_slice %arg6[%dma_wait3A_58, %dma_wait3A_59] : memref<96x384xi32, #tpu.memory_space<vmem>> -> memref<96x384xi32, #tpu.memory_space<vmem>>
      tpu.wait_dma2 semaphore(%run_scoped3A : memref<!tpu.dma_semaphore, #tpu.memory_space<semaphore_mem>>) src(%dma_wait3A_60 : memref<96x384xi32, #tpu.memory_space<vmem>>) dst(%dma_wait3A_57 : memref<96x384xi32, #tpu.memory_space<hbm>>)
      tpu.yield
    }) : () -> ()
    %add3A_21 = arith.constant 96 : i32
    %add3A_22 = arith.addi %mul3A_2, %add3A_21 : i32
    "tpu.region"() ({
      %run_scoped3A = tpu.sem_alloc : memref<!tpu.dma_semaphore, #tpu.memory_space<semaphore_mem>>
      %dma_start3A_41 = arith.constant 0 : i32
      %dma_start3A_42 = tpu.memref_slice %arg5[%dma_start3A_41] : memref<96xi32, #tpu.memory_space<vmem>> -> memref<88xi32, #tpu.memory_space<vmem>>
      %dma_start3A_43 = tpu.memref_slice %arg3[%add3A_22] : memref<5888xi32, #tpu.memory_space<hbm>> -> memref<88xi32, #tpu.memory_space<hbm>>
      %dma_start3A_44 = arith.constant 0 : i32
      %dma_start3A_45 = tpu.memref_slice %arg5[%dma_start3A_44] : memref<96xi32, #tpu.memory_space<vmem>> -> memref<88xi32, #tpu.memory_space<vmem>>
      %dma_start3A_46 = tpu.memref_slice %arg3[%add3A_22] : memref<5888xi32, #tpu.memory_space<hbm>> -> memref<88xi32, #tpu.memory_space<hbm>>
      tpu.enqueue_dma source(%dma_start3A_46 : memref<88xi32, #tpu.memory_space<hbm>>) target(%dma_start3A_45 : memref<88xi32, #tpu.memory_space<vmem>>) target_semaphore(%run_scoped3A : memref<!tpu.dma_semaphore, #tpu.memory_space<semaphore_mem>>)
      %dma_wait3A_47 = arith.constant 0 : i32
      %dma_wait3A_48 = tpu.memref_slice %arg5[%dma_wait3A_47] : memref<96xi32, #tpu.memory_space<vmem>> -> memref<88xi32, #tpu.memory_space<vmem>>
      %dma_wait3A_49 = tpu.memref_slice %arg3[%add3A_22] : memref<5888xi32, #tpu.memory_space<hbm>> -> memref<88xi32, #tpu.memory_space<hbm>>
      %dma_wait3A_50 = arith.constant 0 : i32
      %dma_wait3A_51 = tpu.memref_slice %arg5[%dma_wait3A_50] : memref<96xi32, #tpu.memory_space<vmem>> -> memref<88xi32, #tpu.memory_space<vmem>>
      %dma_wait3A_52 = tpu.memref_slice %arg3[%add3A_22] : memref<5888xi32, #tpu.memory_space<hbm>> -> memref<88xi32, #tpu.memory_space<hbm>>
      tpu.wait_dma2 semaphore(%run_scoped3A : memref<!tpu.dma_semaphore, #tpu.memory_space<semaphore_mem>>) src(%dma_wait3A_52 : memref<88xi32, #tpu.memory_space<hbm>>) dst(%dma_wait3A_51 : memref<88xi32, #tpu.memory_space<vmem>>)
      tpu.yield
    }) : () -> ()
    %dma_start3A_23 = arith.constant 0 : i32
    %dma_start3A_24 = arith.constant 0 : i32
    %dma_start3A_25 = tpu.memref_slice %arg6[%dma_start3A_23, %dma_start3A_24] : memref<96x384xi32, #tpu.memory_space<vmem>> -> memref<88x384xi32, #tpu.memory_space<vmem>>
    %dma_start3A_26 = arith.constant 0 : i32
    %dma_start3A_27 = tpu.memref_slice %arg5[%dma_start3A_26] : memref<96xi32, #tpu.memory_space<vmem>> -> memref<88xi32, #tpu.memory_space<vmem>>
    %dma_start3A_28 = arith.constant 0 : i32
    %dma_start3A_29 = arith.constant 0 : i32
    %dma_start3A_30 = tpu.memref_slice %arg2[%dma_start3A_28, %dma_start3A_29] : memref<2048x384xi32, #tpu.memory_space<hbm>> -> memref<2048x384xi32, #tpu.memory_space<hbm>>
    tpu.enqueue_indirect_dma source(%dma_start3A_30 : memref<2048x384xi32, #tpu.memory_space<hbm>>) target(%dma_start3A_25 : memref<88x384xi32, #tpu.memory_space<vmem>>) offsets(%dma_start3A_27 : memref<88xi32, #tpu.memory_space<vmem>>) semaphore(%arg7 : memref<!tpu.dma_semaphore, #tpu.memory_space<semaphore_mem>>)
    %dma_wait3A_31 = arith.constant 0 : i32
    %dma_wait3A_32 = arith.constant 0 : i32
    %dma_wait3A_33 = tpu.memref_slice %arg6[%dma_wait3A_31, %dma_wait3A_32] : memref<96x384xi32, #tpu.memory_space<vmem>> -> memref<88x384xi32, #tpu.memory_space<vmem>>
    %dma_wait3A_34 = arith.constant 0 : i32
    %dma_wait3A_35 = tpu.memref_slice %arg5[%dma_wait3A_34] : memref<96xi32, #tpu.memory_space<vmem>> -> memref<88xi32, #tpu.memory_space<vmem>>
    %dma_wait3A_36 = arith.constant 0 : i32
    %dma_wait3A_37 = arith.constant 0 : i32
    %dma_wait3A_38 = tpu.memref_slice %arg2[%dma_wait3A_36, %dma_wait3A_37] : memref<2048x384xi32, #tpu.memory_space<hbm>> -> memref<2048x384xi32, #tpu.memory_space<hbm>>
    tpu.wait_indirect_dma semaphore(%arg7 : memref<!tpu.dma_semaphore, #tpu.memory_space<semaphore_mem>>) src(%dma_wait3A_38 : memref<2048x384xi32, #tpu.memory_space<hbm>>) dst(%dma_wait3A_33 : memref<88x384xi32, #tpu.memory_space<vmem>>)
    %add3A_39 = arith.constant 96 : i32
    %add3A_40 = arith.addi %mul3A_2, %add3A_39 : i32
    "tpu.region"() ({
      %run_scoped3A = tpu.sem_alloc : memref<!tpu.dma_semaphore, #tpu.memory_space<semaphore_mem>>
      %dma_start3A_41 = arith.constant 0 : i32
      %dma_start3A_42 = arith.constant 0 : i32
      %dma_start3A_43 = tpu.memref_slice %arg6[%dma_start3A_41, %dma_start3A_42] : memref<96x384xi32, #tpu.memory_space<vmem>> -> memref<88x384xi32, #tpu.memory_space<vmem>>
      %dma_start3A_44 = arith.constant 0 : i32
      %dma_start3A_45 = tpu.memref_slice %arg4[%add3A_40, %dma_start3A_44] : memref<5888x384xi32, #tpu.memory_space<hbm>> -> memref<88x384xi32, #tpu.memory_space<hbm>>
      %dma_start3A_46 = arith.constant 0 : i32
      %dma_start3A_47 = tpu.memref_slice %arg4[%add3A_40, %dma_start3A_46] : memref<5888x384xi32, #tpu.memory_space<hbm>> -> memref<88x384xi32, #tpu.memory_space<hbm>>
      %dma_start3A_48 = arith.constant 0 : i32
      %dma_start3A_49 = arith.constant 0 : i32
      %dma_start3A_50 = tpu.memref_slice %arg6[%dma_start3A_48, %dma_start3A_49] : memref<96x384xi32, #tpu.memory_space<vmem>> -> memref<88x384xi32, #tpu.memory_space<vmem>>
      tpu.enqueue_dma source(%dma_start3A_50 : memref<88x384xi32, #tpu.memory_space<vmem>>) target(%dma_start3A_47 : memref<88x384xi32, #tpu.memory_space<hbm>>) target_semaphore(%run_scoped3A : memref<!tpu.dma_semaphore, #tpu.memory_space<semaphore_mem>>)
      %dma_wait3A_51 = arith.constant 0 : i32
      %dma_wait3A_52 = arith.constant 0 : i32
      %dma_wait3A_53 = tpu.memref_slice %arg6[%dma_wait3A_51, %dma_wait3A_52] : memref<96x384xi32, #tpu.memory_space<vmem>> -> memref<88x384xi32, #tpu.memory_space<vmem>>
      %dma_wait3A_54 = arith.constant 0 : i32
      %dma_wait3A_55 = tpu.memref_slice %arg4[%add3A_40, %dma_wait3A_54] : memref<5888x384xi32, #tpu.memory_space<hbm>> -> memref<88x384xi32, #tpu.memory_space<hbm>>
      %dma_wait3A_56 = arith.constant 0 : i32
      %dma_wait3A_57 = tpu.memref_slice %arg4[%add3A_40, %dma_wait3A_56] : memref<5888x384xi32, #tpu.memory_space<hbm>> -> memref<88x384xi32, #tpu.memory_space<hbm>>
      %dma_wait3A_58 = arith.constant 0 : i32
      %dma_wait3A_59 = arith.constant 0 : i32
      %dma_wait3A_60 = tpu.memref_slice %arg6[%dma_wait3A_58, %dma_wait3A_59] : memref<96x384xi32, #tpu.memory_space<vmem>> -> memref<88x384xi32, #tpu.memory_space<vmem>>
      tpu.wait_dma2 semaphore(%run_scoped3A : memref<!tpu.dma_semaphore, #tpu.memory_space<semaphore_mem>>) src(%dma_wait3A_60 : memref<88x384xi32, #tpu.memory_space<vmem>>) dst(%dma_wait3A_57 : memref<88x384xi32, #tpu.memory_space<hbm>>)
      tpu.yield
    }) : () -> ()
    return
  }
}

module attributes {stable_mosaic.version = 14 : i64} {
  func.func @_ln_qkv_body(%arg0: i32, %arg1: memref<256x768xf32, #tpu.memory_space<vmem>>, %arg2: memref<1x768xf32, #tpu.memory_space<vmem>>, %arg3: memref<1x768xf32, #tpu.memory_space<vmem>>, %arg4: memref<768x2304xf32, #tpu.memory_space<vmem>>, %arg5: memref<1x2304xf32, #tpu.memory_space<vmem>>, %arg6: memref<256x2304xf32, #tpu.memory_space<vmem>>) attributes {dimension_semantics = [#tpu.dimension_semantics<arbitrary>], iteration_bounds = array<i64: 8>, scalar_prefetch = 0 : i64, scratch_operands = 0 : i64, tpu.core_type = #tpu.core_type<tc>, window_params = [{transform_indices = @transform_0, window_bounds = array<i64: 256, 768>}, {pipeline_mode = #tpu.pipeline_mode<synchronous>, transform_indices = @transform_1, window_bounds = array<i64: 1, 768>}, {pipeline_mode = #tpu.pipeline_mode<synchronous>, transform_indices = @transform_2, window_bounds = array<i64: 1, 768>}, {pipeline_mode = #tpu.pipeline_mode<synchronous>, transform_indices = @transform_3, window_bounds = array<i64: 768, 2304>}, {pipeline_mode = #tpu.pipeline_mode<synchronous>, transform_indices = @transform_4, window_bounds = array<i64: 1, 2304>}, {transform_indices = @transform_5, window_bounds = array<i64: 256, 2304>}]} {
    %get3A = arith.constant 0 : index
    %get3A_0 = arith.constant 0 : index
    %get3A_1 = vector.load %arg1[%get3A, %get3A_0] : memref<256x768xf32, #tpu.memory_space<vmem>>, vector<256x768xf32>
    %reduce_sum3A = arith.constant dense<0.000000e+00> : vector<256xf32>
    %reduce_sum3A_2 = vector.multi_reduction <add>, %get3A_1, %reduce_sum3A [1] : vector<256x768xf32> to vector<256xf32>
    %broadcast_in_dim3A = vector.shape_cast %reduce_sum3A_2 : vector<256xf32> to vector<256x1xf32>
    %div3A = arith.constant 7.680000e+02 : f32
    %div3A_3 = vector.broadcast %div3A : f32 to vector<256x1xf32>
    %div3A_4 = arith.divf %broadcast_in_dim3A, %div3A_3 : vector<256x1xf32>
    %sub3A = vector.broadcast %div3A_4 : vector<256x1xf32> to vector<256x768xf32>
    %sub3A_5 = arith.subf %get3A_1, %sub3A : vector<256x768xf32>
    %sub3A_6 = vector.broadcast %div3A_4 : vector<256x1xf32> to vector<256x768xf32>
    %sub3A_7 = arith.subf %get3A_1, %sub3A_6 : vector<256x768xf32>
    %mul3A = arith.mulf %sub3A_5, %sub3A_7 : vector<256x768xf32>
    %reduce_sum3A_8 = arith.constant dense<0.000000e+00> : vector<256xf32>
    %reduce_sum3A_9 = vector.multi_reduction <add>, %mul3A, %reduce_sum3A_8 [1] : vector<256x768xf32> to vector<256xf32>
    %broadcast_in_dim3A_10 = vector.shape_cast %reduce_sum3A_9 : vector<256xf32> to vector<256x1xf32>
    %div3A_11 = arith.constant 7.680000e+02 : f32
    %div3A_12 = vector.broadcast %div3A_11 : f32 to vector<256x1xf32>
    %div3A_13 = arith.divf %broadcast_in_dim3A_10, %div3A_12 : vector<256x1xf32>
    %sub3A_14 = vector.broadcast %div3A_4 : vector<256x1xf32> to vector<256x768xf32>
    %sub3A_15 = arith.subf %get3A_1, %sub3A_14 : vector<256x768xf32>
    %add3A = arith.constant 9.99999974E-6 : f32
    %add3A_16 = vector.broadcast %add3A : f32 to vector<256x1xf32>
    %add3A_17 = arith.addf %div3A_13, %add3A_16 : vector<256x1xf32>
    %rsqrt3A = math.rsqrt %add3A_17 : vector<256x1xf32>
    %mul3A_18 = vector.broadcast %rsqrt3A : vector<256x1xf32> to vector<256x768xf32>
    %mul3A_19 = arith.mulf %sub3A_15, %mul3A_18 : vector<256x768xf32>
    %get3A_20 = arith.constant 0 : index
    %get3A_21 = arith.constant 0 : index
    %get3A_22 = vector.load %arg2[%get3A_20, %get3A_21] : memref<1x768xf32, #tpu.memory_space<vmem>>, vector<1x768xf32>
    %mul3A_23 = vector.broadcast %get3A_22 : vector<1x768xf32> to vector<256x768xf32>
    %mul3A_24 = arith.mulf %mul3A_19, %mul3A_23 : vector<256x768xf32>
    %get3A_25 = arith.constant 0 : index
    %get3A_26 = arith.constant 0 : index
    %get3A_27 = vector.load %arg3[%get3A_25, %get3A_26] : memref<1x768xf32, #tpu.memory_space<vmem>>, vector<1x768xf32>
    %add3A_28 = vector.broadcast %get3A_27 : vector<1x768xf32> to vector<256x768xf32>
    %add3A_29 = arith.addf %mul3A_24, %add3A_28 : vector<256x768xf32>
    %get3A_30 = arith.constant 0 : index
    %get3A_31 = arith.constant 0 : index
    %get3A_32 = vector.load %arg4[%get3A_30, %get3A_31] : memref<768x2304xf32, #tpu.memory_space<vmem>>, vector<768x2304xf32>
    %dot_general3A = arith.constant dense<0.000000e+00> : vector<256x2304xf32>
    %dot_general3A_33 = tpu.matmul %add3A_29, %get3A_32, %dot_general3A {dimension_numbers = #tpu.dot_dimension_numbers<[1], [0], [0], [1], [0, 0, 1, 1], [], []>, transpose_lhs_hint = false} : vector<256x768xf32>, vector<768x2304xf32>, vector<256x2304xf32> -> vector<256x2304xf32>
    %get3A_34 = arith.constant 0 : index
    %get3A_35 = arith.constant 0 : index
    %get3A_36 = vector.load %arg5[%get3A_34, %get3A_35] : memref<1x2304xf32, #tpu.memory_space<vmem>>, vector<1x2304xf32>
    %add3A_37 = vector.broadcast %get3A_36 : vector<1x2304xf32> to vector<256x2304xf32>
    %add3A_38 = arith.addf %dot_general3A_33, %add3A_37 : vector<256x2304xf32>
    %swap3A = arith.constant 0 : index
    %swap3A_39 = arith.constant 0 : index
    %swap3A_40 = vector.load %arg6[%swap3A, %swap3A_39] : memref<256x2304xf32, #tpu.memory_space<vmem>>, vector<256x2304xf32>
    tpu.vector_store %arg6[%swap3A, %swap3A_39], %add3A_38 {strides = array<i32>} : memref<256x2304xf32, #tpu.memory_space<vmem>>, vector<256x2304xf32>,
    return
  }
  func.func @transform_0(%arg0: i32) -> (i32, i32) {
    %c0_i32 = arith.constant 0 : i32
    %c0_i32_0 = arith.constant 0 : i32
    return %arg0, %c0_i32 : i32, i32
  }
  func.func @transform_1(%arg0: i32) -> (i32, i32) {
    %c0_i32 = arith.constant 0 : i32
    %c0_i32_0 = arith.constant 0 : i32
    %c0_i32_1 = arith.constant 0 : i32
    return %c0_i32, %c0_i32_0 : i32, i32
  }
  func.func @transform_2(%arg0: i32) -> (i32, i32) {
    %c0_i32 = arith.constant 0 : i32
    %c0_i32_0 = arith.constant 0 : i32
    %c0_i32_1 = arith.constant 0 : i32
    return %c0_i32, %c0_i32_0 : i32, i32
  }
  func.func @transform_3(%arg0: i32) -> (i32, i32) {
    %c0_i32 = arith.constant 0 : i32
    %c0_i32_0 = arith.constant 0 : i32
    %c0_i32_1 = arith.constant 0 : i32
    return %c0_i32, %c0_i32_0 : i32, i32
  }
  func.func @transform_4(%arg0: i32) -> (i32, i32) {
    %c0_i32 = arith.constant 0 : i32
    %c0_i32_0 = arith.constant 0 : i32
    %c0_i32_1 = arith.constant 0 : i32
    return %c0_i32, %c0_i32_0 : i32, i32
  }
  func.func @transform_5(%arg0: i32) -> (i32, i32) {
    %c0_i32 = arith.constant 0 : i32
    %c0_i32_0 = arith.constant 0 : i32
    return %arg0, %c0_i32 : i32, i32
  }
}

module attributes {stable_mosaic.version = 14 : i64} {
  func.func @_attn_body(%arg0: i32, %arg1: i32, %arg2: memref<1x256x64xf32, #tpu.memory_space<vmem>>, %arg3: memref<1x2048x64xf32, #tpu.memory_space<vmem>>, %arg4: memref<1x2048x64xf32, #tpu.memory_space<vmem>>, %arg5: memref<1x1x1x2304xf32, #tpu.memory_space<vmem>>, %arg6: memref<1x256x64xf32, #tpu.memory_space<vmem>>) attributes {dimension_semantics = [#tpu.dimension_semantics<arbitrary>, #tpu.dimension_semantics<arbitrary>], iteration_bounds = array<i64: 12, 8>, scalar_prefetch = 0 : i64, scratch_operands = 0 : i64, tpu.core_type = #tpu.core_type<tc>, window_params = [{transform_indices = @transform_0, window_bounds = array<i64: 1, 256, 64>}, {transform_indices = @transform_1, window_bounds = array<i64: 1, 2048, 64>}, {transform_indices = @transform_2, window_bounds = array<i64: 1, 2048, 64>}, {transform_indices = @transform_3, window_bounds = array<i64: 1, 1, 1, 2304>}, {transform_indices = @transform_4, window_bounds = array<i64: 1, 256, 64>}]} {
    %get3A = arith.constant 0 : index
    %get3A_0 = arith.constant 0 : index
    %get3A_1 = arith.constant 0 : index
    %get3A_2 = vector.load %arg2[%get3A, %get3A_0, %get3A_1] : memref<1x256x64xf32, #tpu.memory_space<vmem>>, vector<1x256x64xf32>
    %get3A_3 = vector.shape_cast %get3A_2 : vector<1x256x64xf32> to vector<256x64xf32>
    %get3A_4 = arith.constant 0 : index
    %get3A_5 = arith.constant 0 : index
    %get3A_6 = arith.constant 0 : index
    %get3A_7 = vector.load %arg3[%get3A_4, %get3A_5, %get3A_6] : memref<1x2048x64xf32, #tpu.memory_space<vmem>>, vector<1x2048x64xf32>
    %get3A_8 = vector.shape_cast %get3A_7 : vector<1x2048x64xf32> to vector<2048x64xf32>
    %dot_general3A = arith.constant dense<0.000000e+00> : vector<256x2048xf32>
    %dot_general3A_9 = tpu.matmul %get3A_3, %get3A_8, %dot_general3A {dimension_numbers = #tpu.dot_dimension_numbers<[1], [1], [0], [0], [0, 0, 1, 0], [], []>, transpose_lhs_hint = false} : vector<256x64xf32>, vector<2048x64xf32>, vector<256x2048xf32> -> vector<256x2048xf32>
    %mul3A = arith.constant 1.250000e-01 : f32
    %mul3A_10 = vector.broadcast %mul3A : f32 to vector<256x2048xf32>
    %mul3A_11 = arith.mulf %dot_general3A_9, %mul3A_10 : vector<256x2048xf32>
    %get3A_12 = arith.constant 0 : index
    %get3A_13 = arith.constant 0 : index
    %get3A_14 = arith.constant 0 : index
    %get3A_15 = arith.constant 0 : index
    %get3A_16 = vector.load %arg5[%get3A_12, %get3A_13, %get3A_14, %get3A_15] : memref<1x1x1x2304xf32, #tpu.memory_space<vmem>>, vector<1x1x1x2304xf32>
    %get3A_17 = vector.shape_cast %get3A_16 : vector<1x1x1x2304xf32> to vector<2304xf32>
    %broadcast_in_dim3A = vector.shape_cast %get3A_17 : vector<2304xf32> to vector<1x2304xf32>
    %broadcast_in_dim3A_18 = vector.shape_cast %broadcast_in_dim3A : vector<1x2304xf32> to vector<1x2304xf32>
    %broadcast_in_dim3A_19 = vector.broadcast %broadcast_in_dim3A_18 : vector<1x2304xf32> to vector<256x2304xf32>
    %iota3A = tpu.iota {dimensions = array<i32: 0>} : vector<256x1xi32>
    %roll3A = arith.constant 1 : i32
    %roll3A_20 = tpu.dynamic_rotate %broadcast_in_dim3A_19 by %roll3A dim 1 : vector<256x2304xf32>, i32 -> vector<256x2304xf32>
    %and3A = arith.constant 1 : i32
    %and3A_21 = vector.broadcast %and3A : i32 to vector<256x1xi32>
    %and3A_22 = arith.andi %iota3A, %and3A_21 : vector<256x1xi32>
    %ne3A = arith.constant 0 : i32
    %ne3A_23 = vector.broadcast %ne3A : i32 to vector<256x1xi32>
    %ne3A_24 = arith.cmpi ne, %and3A_22, %ne3A_23 : vector<256x1xi32>
    %broadcast_in_dim3A_25 = vector.shape_cast %ne3A_24 : vector<256x1xi1> to vector<256x1xi1>
    %broadcast_in_dim3A_26 = vector.broadcast %broadcast_in_dim3A_25 : vector<256x1xi1> to vector<256x2304xi1>
    %select_n3A = arith.select %broadcast_in_dim3A_26, %roll3A_20, %broadcast_in_dim3A_19 : vector<256x2304xi1>, vector<256x2304xf32>
    %roll3A_27 = arith.constant 2 : i32
    %roll3A_28 = tpu.dynamic_rotate %select_n3A by %roll3A_27 dim 1 : vector<256x2304xf32>, i32 -> vector<256x2304xf32>
    %and3A_29 = arith.constant 2 : i32
    %and3A_30 = vector.broadcast %and3A_29 : i32 to vector<256x1xi32>
    %and3A_31 = arith.andi %iota3A, %and3A_30 : vector<256x1xi32>
    %ne3A_32 = arith.constant 0 : i32
    %ne3A_33 = vector.broadcast %ne3A_32 : i32 to vector<256x1xi32>
    %ne3A_34 = arith.cmpi ne, %and3A_31, %ne3A_33 : vector<256x1xi32>
    %broadcast_in_dim3A_35 = vector.shape_cast %ne3A_34 : vector<256x1xi1> to vector<256x1xi1>
    %broadcast_in_dim3A_36 = vector.broadcast %broadcast_in_dim3A_35 : vector<256x1xi1> to vector<256x2304xi1>
    %select_n3A_37 = arith.select %broadcast_in_dim3A_36, %roll3A_28, %select_n3A : vector<256x2304xi1>, vector<256x2304xf32>
    %roll3A_38 = arith.constant 4 : i32
    %roll3A_39 = tpu.dynamic_rotate %select_n3A_37 by %roll3A_38 dim 1 : vector<256x2304xf32>, i32 -> vector<256x2304xf32>
    %and3A_40 = arith.constant 4 : i32
    %and3A_41 = vector.broadcast %and3A_40 : i32 to vector<256x1xi32>
    %and3A_42 = arith.andi %iota3A, %and3A_41 : vector<256x1xi32>
    %ne3A_43 = arith.constant 0 : i32
    %ne3A_44 = vector.broadcast %ne3A_43 : i32 to vector<256x1xi32>
    %ne3A_45 = arith.cmpi ne, %and3A_42, %ne3A_44 : vector<256x1xi32>
    %broadcast_in_dim3A_46 = vector.shape_cast %ne3A_45 : vector<256x1xi1> to vector<256x1xi1>
    %broadcast_in_dim3A_47 = vector.broadcast %broadcast_in_dim3A_46 : vector<256x1xi1> to vector<256x2304xi1>
    %select_n3A_48 = arith.select %broadcast_in_dim3A_47, %roll3A_39, %select_n3A_37 : vector<256x2304xi1>, vector<256x2304xf32>
    %roll3A_49 = arith.constant 8 : i32
    %roll3A_50 = tpu.dynamic_rotate %select_n3A_48 by %roll3A_49 dim 1 : vector<256x2304xf32>, i32 -> vector<256x2304xf32>
    %and3A_51 = arith.constant 8 : i32
    %and3A_52 = vector.broadcast %and3A_51 : i32 to vector<256x1xi32>
    %and3A_53 = arith.andi %iota3A, %and3A_52 : vector<256x1xi32>
    %ne3A_54 = arith.constant 0 : i32
    %ne3A_55 = vector.broadcast %ne3A_54 : i32 to vector<256x1xi32>
    %ne3A_56 = arith.cmpi ne, %and3A_53, %ne3A_55 : vector<256x1xi32>
    %broadcast_in_dim3A_57 = vector.shape_cast %ne3A_56 : vector<256x1xi1> to vector<256x1xi1>
    %broadcast_in_dim3A_58 = vector.broadcast %broadcast_in_dim3A_57 : vector<256x1xi1> to vector<256x2304xi1>
    %select_n3A_59 = arith.select %broadcast_in_dim3A_58, %roll3A_50, %select_n3A_48 : vector<256x2304xi1>, vector<256x2304xf32>
    %roll3A_60 = arith.constant 16 : i32
    %roll3A_61 = tpu.dynamic_rotate %select_n3A_59 by %roll3A_60 dim 1 : vector<256x2304xf32>, i32 -> vector<256x2304xf32>
    %and3A_62 = arith.constant 16 : i32
    %and3A_63 = vector.broadcast %and3A_62 : i32 to vector<256x1xi32>
    %and3A_64 = arith.andi %iota3A, %and3A_63 : vector<256x1xi32>
    %ne3A_65 = arith.constant 0 : i32
    %ne3A_66 = vector.broadcast %ne3A_65 : i32 to vector<256x1xi32>
    %ne3A_67 = arith.cmpi ne, %and3A_64, %ne3A_66 : vector<256x1xi32>
    %broadcast_in_dim3A_68 = vector.shape_cast %ne3A_67 : vector<256x1xi1> to vector<256x1xi1>
    %broadcast_in_dim3A_69 = vector.broadcast %broadcast_in_dim3A_68 : vector<256x1xi1> to vector<256x2304xi1>
    %select_n3A_70 = arith.select %broadcast_in_dim3A_69, %roll3A_61, %select_n3A_59 : vector<256x2304xi1>, vector<256x2304xf32>
    %roll3A_71 = arith.constant 32 : i32
    %roll3A_72 = tpu.dynamic_rotate %select_n3A_70 by %roll3A_71 dim 1 : vector<256x2304xf32>, i32 -> vector<256x2304xf32>
    %and3A_73 = arith.constant 32 : i32
    %and3A_74 = vector.broadcast %and3A_73 : i32 to vector<256x1xi32>
    %and3A_75 = arith.andi %iota3A, %and3A_74 : vector<256x1xi32>
    %ne3A_76 = arith.constant 0 : i32
    %ne3A_77 = vector.broadcast %ne3A_76 : i32 to vector<256x1xi32>
    %ne3A_78 = arith.cmpi ne, %and3A_75, %ne3A_77 : vector<256x1xi32>
    %broadcast_in_dim3A_79 = vector.shape_cast %ne3A_78 : vector<256x1xi1> to vector<256x1xi1>
    %broadcast_in_dim3A_80 = vector.broadcast %broadcast_in_dim3A_79 : vector<256x1xi1> to vector<256x2304xi1>
    %select_n3A_81 = arith.select %broadcast_in_dim3A_80, %roll3A_72, %select_n3A_70 : vector<256x2304xi1>, vector<256x2304xf32>
    %roll3A_82 = arith.constant 64 : i32
    %roll3A_83 = tpu.dynamic_rotate %select_n3A_81 by %roll3A_82 dim 1 : vector<256x2304xf32>, i32 -> vector<256x2304xf32>
    %and3A_84 = arith.constant 64 : i32
    %and3A_85 = vector.broadcast %and3A_84 : i32 to vector<256x1xi32>
    %and3A_86 = arith.andi %iota3A, %and3A_85 : vector<256x1xi32>
    %ne3A_87 = arith.constant 0 : i32
    %ne3A_88 = vector.broadcast %ne3A_87 : i32 to vector<256x1xi32>
    %ne3A_89 = arith.cmpi ne, %and3A_86, %ne3A_88 : vector<256x1xi32>
    %broadcast_in_dim3A_90 = vector.shape_cast %ne3A_89 : vector<256x1xi1> to vector<256x1xi1>
    %broadcast_in_dim3A_91 = vector.broadcast %broadcast_in_dim3A_90 : vector<256x1xi1> to vector<256x2304xi1>
    %select_n3A_92 = arith.select %broadcast_in_dim3A_91, %roll3A_83, %select_n3A_81 : vector<256x2304xi1>, vector<256x2304xf32>
    %roll3A_93 = arith.constant 128 : i32
    %roll3A_94 = tpu.dynamic_rotate %select_n3A_92 by %roll3A_93 dim 1 : vector<256x2304xf32>, i32 -> vector<256x2304xf32>
    %and3A_95 = arith.constant 128 : i32
    %and3A_96 = vector.broadcast %and3A_95 : i32 to vector<256x1xi32>
    %and3A_97 = arith.andi %iota3A, %and3A_96 : vector<256x1xi32>
    %ne3A_98 = arith.constant 0 : i32
    %ne3A_99 = vector.broadcast %ne3A_98 : i32 to vector<256x1xi32>
    %ne3A_100 = arith.cmpi ne, %and3A_97, %ne3A_99 : vector<256x1xi32>
    %broadcast_in_dim3A_101 = vector.shape_cast %ne3A_100 : vector<256x1xi1> to vector<256x1xi1>
    %broadcast_in_dim3A_102 = vector.broadcast %broadcast_in_dim3A_101 : vector<256x1xi1> to vector<256x2304xi1>
    %select_n3A_103 = arith.select %broadcast_in_dim3A_102, %roll3A_94, %select_n3A_92 : vector<256x2304xi1>, vector<256x2304xf32>
    %slice3A = vector.extract_strided_slice %select_n3A_103 {offsets = [0, 255], sizes = [256, 2048], strides = [1, 1]} : vector<256x2304xf32> to vector<256x2048xf32>
    %add3A = arith.addf %mul3A_11, %slice3A : vector<256x2048xf32>
    %reduce_max3A = arith.constant dense<0xFF800000> : vector<256xf32>
    %reduce_max3A_104 = vector.multi_reduction <maximumf>, %add3A, %reduce_max3A [1] : vector<256x2048xf32> to vector<256xf32>
    %broadcast_in_dim3A_105 = vector.shape_cast %reduce_max3A_104 : vector<256xf32> to vector<256x1xf32>
    %sub3A = vector.broadcast %broadcast_in_dim3A_105 : vector<256x1xf32> to vector<256x2048xf32>
    %sub3A_106 = arith.subf %add3A, %sub3A : vector<256x2048xf32>
    %exp3A = math.exp %sub3A_106 : vector<256x2048xf32>
    %reduce_sum3A = arith.constant dense<0.000000e+00> : vector<256xf32>
    %reduce_sum3A_107 = vector.multi_reduction <add>, %exp3A, %reduce_sum3A [1] : vector<256x2048xf32> to vector<256xf32>
    %broadcast_in_dim3A_108 = vector.shape_cast %reduce_sum3A_107 : vector<256xf32> to vector<256x1xf32>
    %div3A = vector.broadcast %broadcast_in_dim3A_108 : vector<256x1xf32> to vector<256x2048xf32>
    %div3A_109 = arith.divf %exp3A, %div3A : vector<256x2048xf32>
    %get3A_110 = arith.constant 0 : index
    %get3A_111 = arith.constant 0 : index
    %get3A_112 = arith.constant 0 : index
    %get3A_113 = vector.load %arg4[%get3A_110, %get3A_111, %get3A_112] : memref<1x2048x64xf32, #tpu.memory_space<vmem>>, vector<1x2048x64xf32>
    %get3A_114 = vector.shape_cast %get3A_113 : vector<1x2048x64xf32> to vector<2048x64xf32>
    %dot_general3A_115 = arith.constant dense<0.000000e+00> : vector<256x64xf32>
    %dot_general3A_116 = tpu.matmul %div3A_109, %get3A_114, %dot_general3A_115 {dimension_numbers = #tpu.dot_dimension_numbers<[1], [0], [0], [1], [0, 0, 1, 1], [], []>, transpose_lhs_hint = false} : vector<256x2048xf32>, vector<2048x64xf32>, vector<256x64xf32> -> vector<256x64xf32>
    %swap3A = arith.constant 0 : index
    %swap3A_117 = arith.constant 0 : index
    %swap3A_118 = arith.constant 0 : index
    %swap3A_119 = vector.load %arg6[%swap3A, %swap3A_117, %swap3A_118] : memref<1x256x64xf32, #tpu.memory_space<vmem>>, vector<1x256x64xf32>
    %swap3A_120 = vector.shape_cast %swap3A_119 : vector<1x256x64xf32> to vector<256x64xf32>
    %swap3A_121 = vector.shape_cast %dot_general3A_116 : vector<256x64xf32> to vector<1x256x64xf32>
    tpu.vector_store %arg6[%swap3A, %swap3A_117, %swap3A_118], %swap3A_121 {strides = array<i32>} : memref<1x256x64xf32, #tpu.memory_space<vmem>>, vector<1x256x64xf32>,
    return
  }
  func.func @transform_0(%arg0: i32, %arg1: i32) -> (i32, i32, i32) {
    %c0_i32 = arith.constant 0 : i32
    %c0_i32_0 = arith.constant 0 : i32
    return %arg0, %arg1, %c0_i32 : i32, i32, i32
  }
  func.func @transform_1(%arg0: i32, %arg1: i32) -> (i32, i32, i32) {
    %c0_i32 = arith.constant 0 : i32
    %c0_i32_0 = arith.constant 0 : i32
    %c0_i32_1 = arith.constant 0 : i32
    return %arg0, %c0_i32, %c0_i32_0 : i32, i32, i32
  }
  func.func @transform_2(%arg0: i32, %arg1: i32) -> (i32, i32, i32) {
    %c0_i32 = arith.constant 0 : i32
    %c0_i32_0 = arith.constant 0 : i32
    %c0_i32_1 = arith.constant 0 : i32
    return %arg0, %c0_i32, %c0_i32_0 : i32, i32, i32
  }
  func.func @transform_3(%arg0: i32, %arg1: i32) -> (i32, i32, i32, i32) {
    %c0_i32 = arith.constant 0 : i32
    %c0_i32_0 = arith.constant 0 : i32
    %c0_i32_1 = arith.constant 0 : i32
    return %arg0, %arg1, %c0_i32, %c0_i32_0 : i32, i32, i32, i32
  }
  func.func @transform_4(%arg0: i32, %arg1: i32) -> (i32, i32, i32) {
    %c0_i32 = arith.constant 0 : i32
    %c0_i32_0 = arith.constant 0 : i32
    return %arg0, %arg1, %c0_i32 : i32, i32, i32
  }
}

module attributes {stable_mosaic.version = 14 : i64} {
  func.func @_proj_router_body(%arg0: i32, %arg1: memref<256x768xf32, #tpu.memory_space<vmem>>, %arg2: memref<256x768xf32, #tpu.memory_space<vmem>>, %arg3: memref<768x768xf32, #tpu.memory_space<vmem>>, %arg4: memref<1x768xf32, #tpu.memory_space<vmem>>, %arg5: memref<1x768xf32, #tpu.memory_space<vmem>>, %arg6: memref<1x768xf32, #tpu.memory_space<vmem>>, %arg7: memref<768x128xf32, #tpu.memory_space<vmem>>, %arg8: memref<1x768xf32, #tpu.memory_space<vmem>>, %arg9: memref<768x128xf32, #tpu.memory_space<vmem>>, %arg10: memref<256x768xf32, #tpu.memory_space<vmem>>, %arg11: memref<256x384xi32, #tpu.memory_space<vmem>>, %arg12: memref<256x128xf32, #tpu.memory_space<vmem>>) attributes {dimension_semantics = [#tpu.dimension_semantics<arbitrary>], iteration_bounds = array<i64: 8>, scalar_prefetch = 0 : i64, scratch_operands = 0 : i64, tpu.core_type = #tpu.core_type<tc>, window_params = [{transform_indices = @transform_0, window_bounds = array<i64: 256, 768>}, {transform_indices = @transform_1, window_bounds = array<i64: 256, 768>}, {pipeline_mode = #tpu.pipeline_mode<synchronous>, transform_indices = @transform_2, window_bounds = array<i64: 768, 768>}, {pipeline_mode = #tpu.pipeline_mode<synchronous>, transform_indices = @transform_3, window_bounds = array<i64: 1, 768>}, {pipeline_mode = #tpu.pipeline_mode<synchronous>, transform_indices = @transform_4, window_bounds = array<i64: 1, 768>}, {pipeline_mode = #tpu.pipeline_mode<synchronous>, transform_indices = @transform_5, window_bounds = array<i64: 1, 768>}, {pipeline_mode = #tpu.pipeline_mode<synchronous>, transform_indices = @transform_6, window_bounds = array<i64: 768, 128>}, {pipeline_mode = #tpu.pipeline_mode<synchronous>, transform_indices = @transform_7, window_bounds = array<i64: 1, 768>}, {pipeline_mode = #tpu.pipeline_mode<synchronous>, transform_indices = @transform_8, window_bounds = array<i64: 768, 128>}, {transform_indices = @transform_9, window_bounds = array<i64: 256, 768>}, {transform_indices = @transform_10, window_bounds = array<i64: 256, 384>}, {transform_indices = @transform_11, window_bounds = array<i64: 256, 128>}]} {
    %get3A = arith.constant 0 : index
    %get3A_0 = arith.constant 0 : index
    %get3A_1 = vector.load %arg1[%get3A, %get3A_0] : memref<256x768xf32, #tpu.memory_space<vmem>>, vector<256x768xf32>
    %get3A_2 = arith.constant 0 : index
    %get3A_3 = arith.constant 0 : index
    %get3A_4 = vector.load %arg2[%get3A_2, %get3A_3] : memref<256x768xf32, #tpu.memory_space<vmem>>, vector<256x768xf32>
    %get3A_5 = arith.constant 0 : index
    %get3A_6 = arith.constant 0 : index
    %get3A_7 = vector.load %arg3[%get3A_5, %get3A_6] : memref<768x768xf32, #tpu.memory_space<vmem>>, vector<768x768xf32>
    %dot_general3A = arith.constant dense<0.000000e+00> : vector<256x768xf32>
    %dot_general3A_8 = tpu.matmul %get3A_4, %get3A_7, %dot_general3A {dimension_numbers = #tpu.dot_dimension_numbers<[1], [0], [0], [1], [0, 0, 1, 1], [], []>, transpose_lhs_hint = false} : vector<256x768xf32>, vector<768x768xf32>, vector<256x768xf32> -> vector<256x768xf32>
    %add3A = arith.addf %get3A_1, %dot_general3A_8 : vector<256x768xf32>
    %get3A_9 = arith.constant 0 : index
    %get3A_10 = arith.constant 0 : index
    %get3A_11 = vector.load %arg4[%get3A_9, %get3A_10] : memref<1x768xf32, #tpu.memory_space<vmem>>, vector<1x768xf32>
    %add3A_12 = vector.broadcast %get3A_11 : vector<1x768xf32> to vector<256x768xf32>
    %add3A_13 = arith.addf %add3A, %add3A_12 : vector<256x768xf32>
    %reduce_sum3A = arith.constant dense<0.000000e+00> : vector<256xf32>
    %reduce_sum3A_14 = vector.multi_reduction <add>, %add3A_13, %reduce_sum3A [1] : vector<256x768xf32> to vector<256xf32>
    %broadcast_in_dim3A = vector.shape_cast %reduce_sum3A_14 : vector<256xf32> to vector<256x1xf32>
    %div3A = arith.constant 7.680000e+02 : f32
    %div3A_15 = vector.broadcast %div3A : f32 to vector<256x1xf32>
    %div3A_16 = arith.divf %broadcast_in_dim3A, %div3A_15 : vector<256x1xf32>
    %sub3A = vector.broadcast %div3A_16 : vector<256x1xf32> to vector<256x768xf32>
    %sub3A_17 = arith.subf %add3A_13, %sub3A : vector<256x768xf32>
    %sub3A_18 = vector.broadcast %div3A_16 : vector<256x1xf32> to vector<256x768xf32>
    %sub3A_19 = arith.subf %add3A_13, %sub3A_18 : vector<256x768xf32>
    %mul3A = arith.mulf %sub3A_17, %sub3A_19 : vector<256x768xf32>
    %reduce_sum3A_20 = arith.constant dense<0.000000e+00> : vector<256xf32>
    %reduce_sum3A_21 = vector.multi_reduction <add>, %mul3A, %reduce_sum3A_20 [1] : vector<256x768xf32> to vector<256xf32>
    %broadcast_in_dim3A_22 = vector.shape_cast %reduce_sum3A_21 : vector<256xf32> to vector<256x1xf32>
    %div3A_23 = arith.constant 7.680000e+02 : f32
    %div3A_24 = vector.broadcast %div3A_23 : f32 to vector<256x1xf32>
    %div3A_25 = arith.divf %broadcast_in_dim3A_22, %div3A_24 : vector<256x1xf32>
    %sub3A_26 = vector.broadcast %div3A_16 : vector<256x1xf32> to vector<256x768xf32>
    %sub3A_27 = arith.subf %add3A_13, %sub3A_26 : vector<256x768xf32>
    %add3A_28 = arith.constant 9.99999974E-6 : f32
    %add3A_29 = vector.broadcast %add3A_28 : f32 to vector<256x1xf32>
    %add3A_30 = arith.addf %div3A_25, %add3A_29 : vector<256x1xf32>
    %rsqrt3A = math.rsqrt %add3A_30 : vector<256x1xf32>
    %mul3A_31 = vector.broadcast %rsqrt3A : vector<256x1xf32> to vector<256x768xf32>
    %mul3A_32 = arith.mulf %sub3A_27, %mul3A_31 : vector<256x768xf32>
    %get3A_33 = arith.constant 0 : index
    %get3A_34 = arith.constant 0 : index
    %get3A_35 = vector.load %arg5[%get3A_33, %get3A_34] : memref<1x768xf32, #tpu.memory_space<vmem>>, vector<1x768xf32>
    %mul3A_36 = vector.broadcast %get3A_35 : vector<1x768xf32> to vector<256x768xf32>
    %mul3A_37 = arith.mulf %mul3A_32, %mul3A_36 : vector<256x768xf32>
    %get3A_38 = arith.constant 0 : index
    %get3A_39 = arith.constant 0 : index
    %get3A_40 = vector.load %arg6[%get3A_38, %get3A_39] : memref<1x768xf32, #tpu.memory_space<vmem>>, vector<1x768xf32>
    %add3A_41 = vector.broadcast %get3A_40 : vector<1x768xf32> to vector<256x768xf32>
    %add3A_42 = arith.addf %mul3A_37, %add3A_41 : vector<256x768xf32>
    %get3A_43 = arith.constant 0 : index
    %get3A_44 = arith.constant 0 : index
    %get3A_45 = vector.load %arg8[%get3A_43, %get3A_44] : memref<1x768xf32, #tpu.memory_space<vmem>>, vector<1x768xf32>
    %get3A_46 = arith.constant 0 : index
    %get3A_47 = arith.constant 0 : index
    %get3A_48 = vector.load %arg9[%get3A_46, %get3A_47] : memref<768x128xf32, #tpu.memory_space<vmem>>, vector<768x128xf32>
    %dot_general3A_49 = arith.constant dense<0.000000e+00> : vector<1x128xf32>
    %dot_general3A_50 = tpu.matmul %get3A_45, %get3A_48, %dot_general3A_49 {dimension_numbers = #tpu.dot_dimension_numbers<[1], [0], [0], [1], [0, 0, 1, 1], [], []>, transpose_lhs_hint = false} : vector<1x768xf32>, vector<768x128xf32>, vector<1x128xf32> -> vector<1x128xf32>
    %get3A_51 = arith.constant 0 : index
    %get3A_52 = arith.constant 0 : index
    %get3A_53 = vector.load %arg7[%get3A_51, %get3A_52] : memref<768x128xf32, #tpu.memory_space<vmem>>, vector<768x128xf32>
    %dot_general3A_54 = arith.constant dense<0.000000e+00> : vector<256x128xf32>
    %dot_general3A_55 = tpu.matmul %add3A_42, %get3A_53, %dot_general3A_54 {dimension_numbers = #tpu.dot_dimension_numbers<[1], [0], [0], [1], [0, 0, 1, 1], [], []>, transpose_lhs_hint = false} : vector<256x768xf32>, vector<768x128xf32>, vector<256x128xf32> -> vector<256x128xf32>
    %add3A_56 = vector.broadcast %dot_general3A_50 : vector<1x128xf32> to vector<256x128xf32>
    %add3A_57 = arith.addf %dot_general3A_55, %add3A_56 : vector<256x128xf32>
    %swap3A = arith.constant 0 : index
    %swap3A_58 = arith.constant 0 : index
    %swap3A_59 = vector.load %arg10[%swap3A, %swap3A_58] : memref<256x768xf32, #tpu.memory_space<vmem>>, vector<256x768xf32>
    tpu.vector_store %arg10[%swap3A, %swap3A_58], %add3A_13 {strides = array<i32>} : memref<256x768xf32, #tpu.memory_space<vmem>>, vector<256x768xf32>,
    %convert_element_type3A = arith.truncf %add3A_42 : vector<256x768xf32> to vector<256x768xbf16>
    %slice3A = vector.extract_strided_slice %convert_element_type3A {offsets = [0, 0], sizes = [256, 384], strides = [1, 1]} : vector<256x768xbf16> to vector<256x384xbf16>
    %bitcast_convert_type3A = tpu.bitcast %slice3A : vector<256x384xbf16> -> vector<256x384xi16>
    %convert_element_type3A_60 = arith.extui %bitcast_convert_type3A : vector<256x384xi16> to vector<256x384xi32>
    %slice3A_61 = vector.extract_strided_slice %convert_element_type3A {offsets = [0, 384], sizes = [256, 384], strides = [1, 1]} : vector<256x768xbf16> to vector<256x384xbf16>
    %bitcast_convert_type3A_62 = tpu.bitcast %slice3A_61 : vector<256x384xbf16> -> vector<256x384xi16>
    %convert_element_type3A_63 = arith.extui %bitcast_convert_type3A_62 : vector<256x384xi16> to vector<256x384xi32>
    %shift_left3A = arith.constant 16 : i32
    %shift_left3A_64 = vector.broadcast %shift_left3A : i32 to vector<256x384xi32>
    %shift_left3A_65 = arith.shli %convert_element_type3A_63, %shift_left3A_64 : vector<256x384xi32>
    %or3A = arith.ori %convert_element_type3A_60, %shift_left3A_65 : vector<256x384xi32>
    %bitcast_convert_type3A_66 = tpu.bitcast %or3A : vector<256x384xi32> -> vector<256x384xi32>
    %swap3A_67 = arith.constant 0 : index
    %swap3A_68 = arith.constant 0 : index
    %swap3A_69 = vector.load %arg11[%swap3A_67, %swap3A_68] : memref<256x384xi32, #tpu.memory_space<vmem>>, vector<256x384xi32>
    tpu.vector_store %arg11[%swap3A_67, %swap3A_68], %bitcast_convert_type3A_66 {strides = array<i32>} : memref<256x384xi32, #tpu.memory_space<vmem>>, vector<256x384xi32>,
    %swap3A_70 = arith.constant 0 : index
    %swap3A_71 = arith.constant 0 : index
    %swap3A_72 = vector.load %arg12[%swap3A_70, %swap3A_71] : memref<256x128xf32, #tpu.memory_space<vmem>>, vector<256x128xf32>
    tpu.vector_store %arg12[%swap3A_70, %swap3A_71], %add3A_57 {strides = array<i32>} : memref<256x128xf32, #tpu.memory_space<vmem>>, vector<256x128xf32>,
    return
  }
  func.func @transform_0(%arg0: i32) -> (i32, i32) {
    %c0_i32 = arith.constant 0 : i32
    %c0_i32_0 = arith.constant 0 : i32
    return %arg0, %c0_i32 : i32, i32
  }
  func.func @transform_1(%arg0: i32) -> (i32, i32) {
    %c0_i32 = arith.constant 0 : i32
    %c0_i32_0 = arith.constant 0 : i32
    return %arg0, %c0_i32 : i32, i32
  }
  func.func @transform_2(%arg0: i32) -> (i32, i32) {
    %c0_i32 = arith.constant 0 : i32
    %c0_i32_0 = arith.constant 0 : i32
    %c0_i32_1 = arith.constant 0 : i32
    return %c0_i32, %c0_i32_0 : i32, i32
  }
  func.func @transform_3(%arg0: i32) -> (i32, i32) {
    %c0_i32 = arith.constant 0 : i32
    %c0_i32_0 = arith.constant 0 : i32
    %c0_i32_1 = arith.constant 0 : i32
    return %c0_i32, %c0_i32_0 : i32, i32
  }
  func.func @transform_4(%arg0: i32) -> (i32, i32) {
    %c0_i32 = arith.constant 0 : i32
    %c0_i32_0 = arith.constant 0 : i32
    %c0_i32_1 = arith.constant 0 : i32
    return %c0_i32, %c0_i32_0 : i32, i32
  }
  func.func @transform_5(%arg0: i32) -> (i32, i32) {
    %c0_i32 = arith.constant 0 : i32
    %c0_i32_0 = arith.constant 0 : i32
    %c0_i32_1 = arith.constant 0 : i32
    return %c0_i32, %c0_i32_0 : i32, i32
  }
  func.func @transform_6(%arg0: i32) -> (i32, i32) {
    %c0_i32 = arith.constant 0 : i32
    %c0_i32_0 = arith.constant 0 : i32
    %c0_i32_1 = arith.constant 0 : i32
    return %c0_i32, %c0_i32_0 : i32, i32
  }
  func.func @transform_7(%arg0: i32) -> (i32, i32) {
    %c0_i32 = arith.constant 0 : i32
    %c0_i32_0 = arith.constant 0 : i32
    %c0_i32_1 = arith.constant 0 : i32
    return %c0_i32, %c0_i32_0 : i32, i32
  }
  func.func @transform_8(%arg0: i32) -> (i32, i32) {
    %c0_i32 = arith.constant 0 : i32
    %c0_i32_0 = arith.constant 0 : i32
    %c0_i32_1 = arith.constant 0 : i32
    return %c0_i32, %c0_i32_0 : i32, i32
  }
  func.func @transform_9(%arg0: i32) -> (i32, i32) {
    %c0_i32 = arith.constant 0 : i32
    %c0_i32_0 = arith.constant 0 : i32
    return %arg0, %c0_i32 : i32, i32
  }
  func.func @transform_10(%arg0: i32) -> (i32, i32) {
    %c0_i32 = arith.constant 0 : i32
    %c0_i32_0 = arith.constant 0 : i32
    return %arg0, %c0_i32 : i32, i32
  }
  func.func @transform_11(%arg0: i32) -> (i32, i32) {
    %c0_i32 = arith.constant 0 : i32
    %c0_i32_0 = arith.constant 0 : i32
    return %arg0, %c0_i32 : i32, i32
  }
}

module attributes {stable_mosaic.version = 14 : i64} {
  func.func @_route_meta_body(%arg0: memref<2048x128xf32, #tpu.memory_space<vmem>>, %arg1: memref<1x128xf32, #tpu.memory_space<vmem>>, %arg2: memref<4096x1xf32, #tpu.memory_space<vmem>>, %arg3: memref<4096x128xf32, #tpu.memory_space<vmem>>, %arg4: memref<32x128xi32, #tpu.memory_space<vmem>>) attributes {dimension_semantics = [], scalar_prefetch = 0 : i64, scratch_operands = 0 : i64, tpu.core_type = #tpu.core_type<tc>} {
    %iota3A = tpu.iota {dimensions = array<i32: 1>} : vector<2048x128xi32>
    %lt3A = arith.constant 8 : i32
    %lt3A_0 = vector.broadcast %lt3A : i32 to vector<2048x128xi32>
    %lt3A_1 = arith.cmpi slt, %iota3A, %lt3A_0 : vector<2048x128xi32>
    %get3A = arith.constant 0 : index
    %get3A_2 = arith.constant 0 : index
    %get3A_3 = vector.load %arg0[%get3A, %get3A_2] : memref<2048x128xf32, #tpu.memory_space<vmem>>, vector<2048x128xf32>
    %jit3A = arith.constant -1.000000e+30 : f32
    %broadcast_in_dim3A = vector.broadcast %jit3A : f32 to vector<2048x128xf32>
    %select_n3A = arith.select %lt3A_1, %get3A_3, %broadcast_in_dim3A : vector<2048x128xi1>, vector<2048x128xf32>
    %reduce_max3A = arith.constant dense<0xFF800000> : vector<2048xf32>
    %reduce_max3A_4 = vector.multi_reduction <maximumf>, %select_n3A, %reduce_max3A [1] : vector<2048x128xf32> to vector<2048xf32>
    %broadcast_in_dim3A_5 = vector.shape_cast %reduce_max3A_4 : vector<2048xf32> to vector<2048x1xf32>
    %sub3A = vector.broadcast %broadcast_in_dim3A_5 : vector<2048x1xf32> to vector<2048x128xf32>
    %sub3A_6 = arith.subf %select_n3A, %sub3A : vector<2048x128xf32>
    %exp3A = math.exp %sub3A_6 : vector<2048x128xf32>
    %jit3A_7 = arith.constant 0.000000e+00 : f32
    %broadcast_in_dim3A_8 = vector.broadcast %jit3A_7 : f32 to vector<2048x128xf32>
    %select_n3A_9 = arith.select %lt3A_1, %exp3A, %broadcast_in_dim3A_8 : vector<2048x128xi1>, vector<2048x128xf32>
    %reduce_sum3A = arith.constant dense<0.000000e+00> : vector<2048xf32>
    %reduce_sum3A_10 = vector.multi_reduction <add>, %select_n3A_9, %reduce_sum3A [1] : vector<2048x128xf32> to vector<2048xf32>
    %broadcast_in_dim3A_11 = vector.shape_cast %reduce_sum3A_10 : vector<2048xf32> to vector<2048x1xf32>
    %div3A = vector.broadcast %broadcast_in_dim3A_11 : vector<2048x1xf32> to vector<2048x128xf32>
    %div3A_12 = arith.divf %select_n3A_9, %div3A : vector<2048x128xf32>
    %reduce_max3A_13 = arith.constant dense<0xFF800000> : vector<2048xf32>
    %reduce_max3A_14 = vector.multi_reduction <maximumf>, %div3A_12, %reduce_max3A_13 [1] : vector<2048x128xf32> to vector<2048xf32>
    %broadcast_in_dim3A_15 = vector.shape_cast %reduce_max3A_14 : vector<2048xf32> to vector<2048x1xf32>
    %eq3A = vector.broadcast %broadcast_in_dim3A_15 : vector<2048x1xf32> to vector<2048x128xf32>
    %eq3A_16 = arith.cmpf oeq, %div3A_12, %eq3A : vector<2048x128xf32>
    %and3A = arith.andi %eq3A_16, %lt3A_1 : vector<2048x128xi1>
    %jit3A_17 = arith.constant 128 : i32
    %broadcast_in_dim3A_18 = vector.broadcast %jit3A_17 : i32 to vector<2048x128xi32>
    %select_n3A_19 = arith.select %and3A, %iota3A, %broadcast_in_dim3A_18 : vector<2048x128xi1>, vector<2048x128xi32>
    %reduce_min3A = arith.constant dense<2147483647> : vector<2048xi32>
    %reduce_min3A_20 = vector.multi_reduction <minsi>, %select_n3A_19, %reduce_min3A [1] : vector<2048x128xi32> to vector<2048xi32>
    %broadcast_in_dim3A_21 = vector.shape_cast %reduce_min3A_20 : vector<2048xi32> to vector<2048x1xi32>
    %eq3A_22 = vector.broadcast %broadcast_in_dim3A_21 : vector<2048x1xi32> to vector<2048x128xi32>
    %eq3A_23 = arith.cmpi eq, %iota3A, %eq3A_22 : vector<2048x128xi32>
    %jit3A_24 = arith.constant -1.000000e+00 : f32
    %broadcast_in_dim3A_25 = vector.broadcast %jit3A_24 : f32 to vector<2048x128xf32>
    %select_n3A_26 = arith.select %eq3A_23, %broadcast_in_dim3A_25, %div3A_12 : vector<2048x128xi1>, vector<2048x128xf32>
    %reduce_max3A_27 = arith.constant dense<0xFF800000> : vector<2048xf32>
    %reduce_max3A_28 = vector.multi_reduction <maximumf>, %select_n3A_26, %reduce_max3A_27 [1] : vector<2048x128xf32> to vector<2048xf32>
    %broadcast_in_dim3A_29 = vector.shape_cast %reduce_max3A_28 : vector<2048xf32> to vector<2048x1xf32>
    %eq3A_30 = vector.broadcast %broadcast_in_dim3A_29 : vector<2048x1xf32> to vector<2048x128xf32>
    %eq3A_31 = arith.cmpf oeq, %select_n3A_26, %eq3A_30 : vector<2048x128xf32>
    %and3A_32 = arith.andi %eq3A_31, %lt3A_1 : vector<2048x128xi1>
    %jit3A_33 = arith.constant 128 : i32
    %broadcast_in_dim3A_34 = vector.broadcast %jit3A_33 : i32 to vector<2048x128xi32>
    %select_n3A_35 = arith.select %and3A_32, %iota3A, %broadcast_in_dim3A_34 : vector<2048x128xi1>, vector<2048x128xi32>
    %reduce_min3A_36 = arith.constant dense<2147483647> : vector<2048xi32>
    %reduce_min3A_37 = vector.multi_reduction <minsi>, %select_n3A_35, %reduce_min3A_36 [1] : vector<2048x128xi32> to vector<2048xi32>
    %broadcast_in_dim3A_38 = vector.shape_cast %reduce_min3A_37 : vector<2048xi32> to vector<2048x1xi32>
    %add3A = arith.addf %broadcast_in_dim3A_15, %broadcast_in_dim3A_29 : vector<2048x1xf32>
    %div3A_39 = arith.divf %broadcast_in_dim3A_15, %add3A : vector<2048x1xf32>
    %div3A_40 = arith.divf %broadcast_in_dim3A_29, %add3A : vector<2048x1xf32>
    %eq3A_41 = vector.broadcast %broadcast_in_dim3A_21 : vector<2048x1xi32> to vector<2048x128xi32>
    %eq3A_42 = arith.cmpi eq, %iota3A, %eq3A_41 : vector<2048x128xi32>
    %jit3A_43 = arith.constant 0.000000e+00 : f32
    %broadcast_in_dim3A_44 = vector.shape_cast %div3A_39 : vector<2048x1xf32> to vector<2048x1xf32>
    %broadcast_in_dim3A_45 = vector.broadcast %broadcast_in_dim3A_44 : vector<2048x1xf32> to vector<2048x128xf32>
    %broadcast_in_dim3A_46 = vector.broadcast %jit3A_43 : f32 to vector<2048x128xf32>
    %select_n3A_47 = arith.select %eq3A_42, %broadcast_in_dim3A_45, %broadcast_in_dim3A_46 : vector<2048x128xi1>, vector<2048x128xf32>
    %eq3A_48 = vector.broadcast %broadcast_in_dim3A_38 : vector<2048x1xi32> to vector<2048x128xi32>
    %eq3A_49 = arith.cmpi eq, %iota3A, %eq3A_48 : vector<2048x128xi32>
    %jit3A_50 = arith.constant 0.000000e+00 : f32
    %broadcast_in_dim3A_51 = vector.shape_cast %div3A_40 : vector<2048x1xf32> to vector<2048x1xf32>
    %broadcast_in_dim3A_52 = vector.broadcast %broadcast_in_dim3A_51 : vector<2048x1xf32> to vector<2048x128xf32>
    %broadcast_in_dim3A_53 = vector.broadcast %jit3A_50 : f32 to vector<2048x128xf32>
    %select_n3A_54 = arith.select %eq3A_49, %broadcast_in_dim3A_52, %broadcast_in_dim3A_53 : vector<2048x128xi1>, vector<2048x128xf32>
    %add3A_55 = arith.addf %select_n3A_47, %select_n3A_54 : vector<2048x128xf32>
    %reduce_sum3A_56 = arith.constant dense<0.000000e+00> : vector<128xf32>
    %reduce_sum3A_57 = vector.multi_reduction <add>, %add3A_55, %reduce_sum3A_56 [0] : vector<2048x128xf32> to vector<128xf32>
    %broadcast_in_dim3A_58 = vector.shape_cast %reduce_sum3A_57 : vector<128xf32> to vector<1x128xf32>
    %div3A_59 = arith.constant 2.048000e+03 : f32
    %div3A_60 = vector.broadcast %div3A_59 : f32 to vector<1x128xf32>
    %div3A_61 = arith.divf %broadcast_in_dim3A_58, %div3A_60 : vector<1x128xf32>
    %swap3A = arith.constant 0 : index
    %swap3A_62 = arith.constant 0 : index
    %swap3A_63 = vector.load %arg1[%swap3A, %swap3A_62] : memref<1x128xf32, #tpu.memory_space<vmem>>, vector<1x128xf32>
    tpu.vector_store %arg1[%swap3A, %swap3A_62], %div3A_61 {strides = array<i32>} : memref<1x128xf32, #tpu.memory_space<vmem>>, vector<1x128xf32>,
    %iota3A_64 = tpu.iota {dimensions = array<i32: 0>} : vector<2048x1xi32>
    %convert_element_type3A = arith.sitofp %iota3A_64 : vector<2048x1xi32> to vector<2048x1xf32>
    %div3A_65 = arith.constant 2.560000e+02 : f32
    %div3A_66 = vector.broadcast %div3A_65 : f32 to vector<2048x1xf32>
    %div3A_67 = arith.divf %convert_element_type3A, %div3A_66 : vector<2048x1xf32>
    %floor3A = math.floor %div3A_67 : vector<2048x1xf32>
    %mul3A = arith.constant 2.560000e+02 : f32
    %mul3A_68 = vector.broadcast %mul3A : f32 to vector<2048x1xf32>
    %mul3A_69 = arith.mulf %mul3A_68, %floor3A : vector<2048x1xf32>
    %sub3A_70 = arith.subf %convert_element_type3A, %mul3A_69 : vector<2048x1xf32>
    %eq3A_71 = arith.constant 0 : i32
    %eq3A_72 = vector.broadcast %eq3A_71 : i32 to vector<2048x128xi32>
    %eq3A_73 = arith.cmpi eq, %iota3A, %eq3A_72 : vector<2048x128xi32>
    %eq3A_74 = arith.constant 1 : i32
    %eq3A_75 = vector.broadcast %eq3A_74 : i32 to vector<2048x128xi32>
    %eq3A_76 = arith.cmpi eq, %iota3A, %eq3A_75 : vector<2048x128xi32>
    %eq3A_77 = arith.constant 2 : i32
    %eq3A_78 = vector.broadcast %eq3A_77 : i32 to vector<2048x128xi32>
    %eq3A_79 = arith.cmpi eq, %iota3A, %eq3A_78 : vector<2048x128xi32>
    %jit3A_80 = arith.constant 0.000000e+00 : f32
    %broadcast_in_dim3A_81 = vector.shape_cast %floor3A : vector<2048x1xf32> to vector<2048x1xf32>
    %broadcast_in_dim3A_82 = vector.broadcast %broadcast_in_dim3A_81 : vector<2048x1xf32> to vector<2048x128xf32>
    %broadcast_in_dim3A_83 = vector.broadcast %jit3A_80 : f32 to vector<2048x128xf32>
    %select_n3A_84 = arith.select %eq3A_73, %broadcast_in_dim3A_82, %broadcast_in_dim3A_83 : vector<2048x128xi1>, vector<2048x128xf32>
    %jit3A_85 = arith.constant 0.000000e+00 : f32
    %broadcast_in_dim3A_86 = vector.shape_cast %sub3A_70 : vector<2048x1xf32> to vector<2048x1xf32>
    %broadcast_in_dim3A_87 = vector.broadcast %broadcast_in_dim3A_86 : vector<2048x1xf32> to vector<2048x128xf32>
    %broadcast_in_dim3A_88 = vector.broadcast %jit3A_85 : f32 to vector<2048x128xf32>
    %select_n3A_89 = arith.select %eq3A_76, %broadcast_in_dim3A_87, %broadcast_in_dim3A_88 : vector<2048x128xi1>, vector<2048x128xf32>
    %add3A_90 = arith.addf %select_n3A_84, %select_n3A_89 : vector<2048x128xf32>
    %jit3A_91 = arith.constant 0.000000e+00 : f32
    %broadcast_in_dim3A_92 = vector.shape_cast %div3A_39 : vector<2048x1xf32> to vector<2048x1xf32>
    %broadcast_in_dim3A_93 = vector.broadcast %broadcast_in_dim3A_92 : vector<2048x1xf32> to vector<2048x128xf32>
    %broadcast_in_dim3A_94 = vector.broadcast %jit3A_91 : f32 to vector<2048x128xf32>
    %select_n3A_95 = arith.select %eq3A_79, %broadcast_in_dim3A_93, %broadcast_in_dim3A_94 : vector<2048x128xi1>, vector<2048x128xf32>
    %add3A_96 = arith.addf %add3A_90, %select_n3A_95 : vector<2048x128xf32>
    %swap3A_97 = arith.constant 0 : index
    %swap3A_98 = arith.constant 0 : index
    %swap3A_99 = vector.load %arg3[%swap3A_97, %swap3A_98] : memref<4096x128xf32, #tpu.memory_space<vmem>>, vector<2048x128xf32>
    tpu.vector_store %arg3[%swap3A_97, %swap3A_98], %add3A_96 {strides = array<i32>} : memref<4096x128xf32, #tpu.memory_space<vmem>>, vector<2048x128xf32>,
    %jit3A_100 = arith.constant 0.000000e+00 : f32
    %broadcast_in_dim3A_101 = vector.shape_cast %floor3A : vector<2048x1xf32> to vector<2048x1xf32>
    %broadcast_in_dim3A_102 = vector.broadcast %broadcast_in_dim3A_101 : vector<2048x1xf32> to vector<2048x128xf32>
    %broadcast_in_dim3A_103 = vector.broadcast %jit3A_100 : f32 to vector<2048x128xf32>
    %select_n3A_104 = arith.select %eq3A_73, %broadcast_in_dim3A_102, %broadcast_in_dim3A_103 : vector<2048x128xi1>, vector<2048x128xf32>
    %jit3A_105 = arith.constant 0.000000e+00 : f32
    %broadcast_in_dim3A_106 = vector.shape_cast %sub3A_70 : vector<2048x1xf32> to vector<2048x1xf32>
    %broadcast_in_dim3A_107 = vector.broadcast %broadcast_in_dim3A_106 : vector<2048x1xf32> to vector<2048x128xf32>
    %broadcast_in_dim3A_108 = vector.broadcast %jit3A_105 : f32 to vector<2048x128xf32>
    %select_n3A_109 = arith.select %eq3A_76, %broadcast_in_dim3A_107, %broadcast_in_dim3A_108 : vector<2048x128xi1>, vector<2048x128xf32>
    %add3A_110 = arith.addf %select_n3A_104, %select_n3A_109 : vector<2048x128xf32>
    %jit3A_111 = arith.constant 0.000000e+00 : f32
    %broadcast_in_dim3A_112 = vector.shape_cast %div3A_40 : vector<2048x1xf32> to vector<2048x1xf32>
    %broadcast_in_dim3A_113 = vector.broadcast %broadcast_in_dim3A_112 : vector<2048x1xf32> to vector<2048x128xf32>
    %broadcast_in_dim3A_114 = vector.broadcast %jit3A_111 : f32 to vector<2048x128xf32>
    %select_n3A_115 = arith.select %eq3A_79, %broadcast_in_dim3A_113, %broadcast_in_dim3A_114 : vector<2048x128xi1>, vector<2048x128xf32>
    %add3A_116 = arith.addf %add3A_110, %select_n3A_115 : vector<2048x128xf32>
    %swap3A_117 = arith.constant 2048 : index
    %swap3A_118 = arith.constant 0 : index
    %swap3A_119 = vector.load %arg3[%swap3A_117, %swap3A_118] : memref<4096x128xf32, #tpu.memory_space<vmem>>, vector<2048x128xf32>
    tpu.vector_store %arg3[%swap3A_117, %swap3A_118], %add3A_116 {strides = array<i32>} : memref<4096x128xf32, #tpu.memory_space<vmem>>, vector<2048x128xf32>,
    %eq3A_120 = vector.broadcast %broadcast_in_dim3A_21 : vector<2048x1xi32> to vector<2048x128xi32>
    %eq3A_121 = arith.cmpi eq, %iota3A, %eq3A_120 : vector<2048x128xi32>
    %and3A_122 = arith.andi %eq3A_121, %lt3A_1 : vector<2048x128xi1>
    %jit3A_123 = arith.constant 1.000000e+00 : f32
    %jit3A_124 = arith.constant 0.000000e+00 : f32
    %broadcast_in_dim3A_125 = vector.broadcast %jit3A_123 : f32 to vector<2048x128xf32>
    %broadcast_in_dim3A_126 = vector.broadcast %jit3A_124 : f32 to vector<2048x128xf32>
    %select_n3A_127 = arith.select %and3A_122, %broadcast_in_dim3A_125, %broadcast_in_dim3A_126 : vector<2048x128xi1>, vector<2048x128xf32>
    %eq3A_128 = vector.broadcast %broadcast_in_dim3A_38 : vector<2048x1xi32> to vector<2048x128xi32>
    %eq3A_129 = arith.cmpi eq, %iota3A, %eq3A_128 : vector<2048x128xi32>
    %and3A_130 = arith.andi %eq3A_129, %lt3A_1 : vector<2048x128xi1>
    %jit3A_131 = arith.constant 1.000000e+00 : f32
    %jit3A_132 = arith.constant 0.000000e+00 : f32
    %broadcast_in_dim3A_133 = vector.broadcast %jit3A_131 : f32 to vector<2048x128xf32>
    %broadcast_in_dim3A_134 = vector.broadcast %jit3A_132 : f32 to vector<2048x128xf32>
    %select_n3A_135 = arith.select %and3A_130, %broadcast_in_dim3A_133, %broadcast_in_dim3A_134 : vector<2048x128xi1>, vector<2048x128xf32>
    %reduce_sum3A_136 = arith.constant dense<0.000000e+00> : vector<128xf32>
    %reduce_sum3A_137 = vector.multi_reduction <add>, %select_n3A_127, %reduce_sum3A_136 [0] : vector<2048x128xf32> to vector<128xf32>
    %broadcast_in_dim3A_138 = vector.shape_cast %reduce_sum3A_137 : vector<128xf32> to vector<1x128xf32>
    %reduce_sum3A_139 = arith.constant dense<0.000000e+00> : vector<128xf32>
    %reduce_sum3A_140 = vector.multi_reduction <add>, %select_n3A_135, %reduce_sum3A_139 [0] : vector<2048x128xf32> to vector<128xf32>
    %broadcast_in_dim3A_141 = vector.shape_cast %reduce_sum3A_140 : vector<128xf32> to vector<1x128xf32>
    %add3A_142 = arith.addf %broadcast_in_dim3A_138, %broadcast_in_dim3A_141 : vector<1x128xf32>
    %add3A_143 = arith.constant 2.550000e+02 : f32
    %add3A_144 = vector.broadcast %add3A_143 : f32 to vector<1x128xf32>
    %add3A_145 = arith.addf %add3A_142, %add3A_144 : vector<1x128xf32>
    %div3A_146 = arith.constant 2.560000e+02 : f32
    %div3A_147 = vector.broadcast %div3A_146 : f32 to vector<1x128xf32>
    %div3A_148 = arith.divf %add3A_145, %div3A_147 : vector<1x128xf32>
    %floor3A_149 = math.floor %div3A_148 : vector<1x128xf32>
    %iota3A_150 = tpu.iota {dimensions = array<i32: 0>} : vector<128x128xi32>
    %iota3A_151 = tpu.iota {dimensions = array<i32: 1>} : vector<128x128xi32>
    %lt3A_152 = arith.cmpi slt, %iota3A_150, %iota3A_151 : vector<128x128xi32>
    %jit3A_153 = arith.constant 1.000000e+00 : f32
    %jit3A_154 = arith.constant 0.000000e+00 : f32
    %broadcast_in_dim3A_155 = vector.broadcast %jit3A_153 : f32 to vector<128x128xf32>
    %broadcast_in_dim3A_156 = vector.broadcast %jit3A_154 : f32 to vector<128x128xf32>
    %select_n3A_157 = arith.select %lt3A_152, %broadcast_in_dim3A_155, %broadcast_in_dim3A_156 : vector<128x128xi1>, vector<128x128xf32>
    %dot_general3A = arith.constant dense<0.000000e+00> : vector<1x128xf32>
    %dot_general3A_158 = tpu.matmul %floor3A_149, %select_n3A_157, %dot_general3A {dimension_numbers = #tpu.dot_dimension_numbers<[1], [0], [0], [1], [0, 0, 1, 1], [], []>, transpose_lhs_hint = false} : vector<1x128xf32>, vector<128x128xf32>, vector<1x128xf32> -> vector<1x128xf32>
    %mul3A_159 = arith.constant 2.560000e+02 : f32
    %mul3A_160 = vector.broadcast %mul3A_159 : f32 to vector<1x128xf32>
    %mul3A_161 = arith.mulf %dot_general3A_158, %mul3A_160 : vector<1x128xf32>
    %reduce_sum3A_162 = arith.constant dense<0.000000e+00> : vector<1xf32>
    %reduce_sum3A_163 = vector.multi_reduction <add>, %floor3A_149, %reduce_sum3A_162 [1] : vector<1x128xf32> to vector<1xf32>
    %broadcast_in_dim3A_164 = vector.shape_cast %reduce_sum3A_163 : vector<1xf32> to vector<1x1xf32>
    %iota3A_165 = tpu.iota {dimensions = array<i32: 0>} : vector<32x1xi32>
    %convert_element_type3A_166 = arith.sitofp %iota3A_165 : vector<32x1xi32> to vector<32x1xf32>
    %iota3A_167 = tpu.iota {dimensions = array<i32: 1>} : vector<32x128xi32>
    %le3A = vector.broadcast %dot_general3A_158 : vector<1x128xf32> to vector<32x128xf32>
    %le3A_168 = vector.broadcast %convert_element_type3A_166 : vector<32x1xf32> to vector<32x128xf32>
    %le3A_169 = arith.cmpf ole, %le3A, %le3A_168 : vector<32x128xf32>
    %lt3A_170 = arith.constant 8 : i32
    %lt3A_171 = vector.broadcast %lt3A_170 : i32 to vector<32x128xi32>
    %lt3A_172 = arith.cmpi slt, %iota3A_167, %lt3A_171 : vector<32x128xi32>
    %and3A_173 = arith.andi %le3A_169, %lt3A_172 : vector<32x128xi1>
    %jit3A_174 = arith.constant 1.000000e+00 : f32
    %jit3A_175 = arith.constant 0.000000e+00 : f32
    %broadcast_in_dim3A_176 = vector.broadcast %jit3A_174 : f32 to vector<32x128xf32>
    %broadcast_in_dim3A_177 = vector.broadcast %jit3A_175 : f32 to vector<32x128xf32>
    %select_n3A_178 = arith.select %and3A_173, %broadcast_in_dim3A_176, %broadcast_in_dim3A_177 : vector<32x128xi1>, vector<32x128xf32>
    %reduce_sum3A_179 = arith.constant dense<0.000000e+00> : vector<32xf32>
    %reduce_sum3A_180 = vector.multi_reduction <add>, %select_n3A_178, %reduce_sum3A_179 [1] : vector<32x128xf32> to vector<32xf32>
    %broadcast_in_dim3A_181 = vector.shape_cast %reduce_sum3A_180 : vector<32xf32> to vector<32x1xf32>
    %sub3A_182 = arith.constant 1.000000e+00 : f32
    %sub3A_183 = vector.broadcast %sub3A_182 : f32 to vector<32x1xf32>
    %sub3A_184 = arith.subf %broadcast_in_dim3A_181, %sub3A_183 : vector<32x1xf32>
    %jit3A_185 = arith.constant 0.000000e+00 : f32
    %jit3A_186 = arith.constant 7.000000e+00 : f32
    %max3A = vector.broadcast %jit3A_185 : f32 to vector<32x1xf32>
    %max3A_187 = arith.maximumf %max3A, %sub3A_184 : vector<32x1xf32>
    %min3A = vector.broadcast %jit3A_186 : f32 to vector<32x1xf32>
    %min3A_188 = arith.minimumf %min3A, %max3A_187 : vector<32x1xf32>
    %gt3A = arith.constant 0.000000e+00 : f32
    %gt3A_189 = vector.broadcast %gt3A : f32 to vector<1x128xf32>
    %gt3A_190 = arith.cmpf ogt, %floor3A_149, %gt3A_189 : vector<1x128xf32>
    %slice3A = vector.extract_strided_slice %iota3A_167 {offsets = [0, 0], sizes = [1, 128], strides = [1, 1]} : vector<32x128xi32> to vector<1x128xi32>
    %lt3A_191 = arith.constant 8 : i32
    %lt3A_192 = vector.broadcast %lt3A_191 : i32 to vector<1x128xi32>
    %lt3A_193 = arith.cmpi slt, %slice3A, %lt3A_192 : vector<1x128xi32>
    %and3A_194 = arith.andi %gt3A_190, %lt3A_193 : vector<1x128xi1>
    %jit3A_195 = arith.constant 1.000000e+00 : f32
    %jit3A_196 = arith.constant 0.000000e+00 : f32
    %broadcast_in_dim3A_197 = vector.broadcast %jit3A_195 : f32 to vector<1x128xf32>
    %broadcast_in_dim3A_198 = vector.broadcast %jit3A_196 : f32 to vector<1x128xf32>
    %select_n3A_199 = arith.select %and3A_194, %broadcast_in_dim3A_197, %broadcast_in_dim3A_198 : vector<1x128xi1>, vector<1x128xf32>
    %reduce_sum3A_200 = arith.constant dense<0.000000e+00> : vector<1xf32>
    %reduce_sum3A_201 = vector.multi_reduction <add>, %select_n3A_199, %reduce_sum3A_200 [1] : vector<1x128xf32> to vector<1xf32>
    %broadcast_in_dim3A_202 = vector.shape_cast %reduce_sum3A_201 : vector<1xf32> to vector<1x1xf32>
    %sub3A_203 = arith.constant 1.000000e+00 : f32
    %sub3A_204 = vector.broadcast %sub3A_203 : f32 to vector<1x1xf32>
    %sub3A_205 = arith.subf %broadcast_in_dim3A_202, %sub3A_204 : vector<1x1xf32>
    %lt3A_206 = vector.broadcast %broadcast_in_dim3A_164 : vector<1x1xf32> to vector<32x1xf32>
    %lt3A_207 = arith.cmpf olt, %convert_element_type3A_166, %lt3A_206 : vector<32x1xf32>
    %jit3A_208 = arith.constant 1.000000e+00 : f32
    %jit3A_209 = arith.constant 0.000000e+00 : f32
    %broadcast_in_dim3A_210 = vector.broadcast %jit3A_208 : f32 to vector<32x1xf32>
    %broadcast_in_dim3A_211 = vector.broadcast %jit3A_209 : f32 to vector<32x1xf32>
    %select_n3A_212 = arith.select %lt3A_207, %broadcast_in_dim3A_210, %broadcast_in_dim3A_211 : vector<32x1xi1>, vector<32x1xf32>
    %gt3A_213 = arith.constant 0.000000e+00 : f32
    %gt3A_214 = vector.broadcast %gt3A_213 : f32 to vector<32x1xf32>
    %gt3A_215 = arith.cmpf ogt, %select_n3A_212, %gt3A_214 : vector<32x1xf32>
    %max3A_216 = arith.constant 0.000000e+00 : f32
    %max3A_217 = vector.broadcast %max3A_216 : f32 to vector<1x1xf32>
    %max3A_218 = arith.maximumf %sub3A_205, %max3A_217 : vector<1x1xf32>
    %broadcast_in_dim3A_219 = vector.shape_cast %max3A_218 : vector<1x1xf32> to vector<1x1xf32>
    %broadcast_in_dim3A_220 = vector.broadcast %broadcast_in_dim3A_219 : vector<1x1xf32> to vector<32x1xf32>
    %select_n3A_221 = arith.select %gt3A_215, %min3A_188, %broadcast_in_dim3A_220 : vector<32x1xi1>, vector<32x1xf32>
    %eq3A_222 = arith.constant 0 : i32
    %eq3A_223 = vector.broadcast %eq3A_222 : i32 to vector<32x128xi32>
    %eq3A_224 = arith.cmpi eq, %iota3A_167, %eq3A_223 : vector<32x128xi32>
    %convert_element_type3A_225 = arith.fptosi %select_n3A_221 : vector<32x1xf32> to vector<32x1xi32>
    %jit3A_226 = arith.constant 0 : i32
    %broadcast_in_dim3A_227 = vector.shape_cast %convert_element_type3A_225 : vector<32x1xi32> to vector<32x1xi32>
    %broadcast_in_dim3A_228 = vector.broadcast %broadcast_in_dim3A_227 : vector<32x1xi32> to vector<32x128xi32>
    %broadcast_in_dim3A_229 = vector.broadcast %jit3A_226 : i32 to vector<32x128xi32>
    %select_n3A_230 = arith.select %eq3A_224, %broadcast_in_dim3A_228, %broadcast_in_dim3A_229 : vector<32x128xi1>, vector<32x128xi32>
    %eq3A_231 = arith.constant 1 : i32
    %eq3A_232 = vector.broadcast %eq3A_231 : i32 to vector<32x128xi32>
    %eq3A_233 = arith.cmpi eq, %iota3A_167, %eq3A_232 : vector<32x128xi32>
    %convert_element_type3A_234 = arith.fptosi %select_n3A_212 : vector<32x1xf32> to vector<32x1xi32>
    %jit3A_235 = arith.constant 0 : i32
    %broadcast_in_dim3A_236 = vector.shape_cast %convert_element_type3A_234 : vector<32x1xi32> to vector<32x1xi32>
    %broadcast_in_dim3A_237 = vector.broadcast %broadcast_in_dim3A_236 : vector<32x1xi32> to vector<32x128xi32>
    %broadcast_in_dim3A_238 = vector.broadcast %jit3A_235 : i32 to vector<32x128xi32>
    %select_n3A_239 = arith.select %eq3A_233, %broadcast_in_dim3A_237, %broadcast_in_dim3A_238 : vector<32x128xi1>, vector<32x128xi32>
    %add3A_240 = arith.addi %select_n3A_230, %select_n3A_239 : vector<32x128xi32>
    %swap3A_241 = arith.constant 0 : index
    %swap3A_242 = arith.constant 0 : index
    %swap3A_243 = vector.load %arg4[%swap3A_241, %swap3A_242] : memref<32x128xi32, #tpu.memory_space<vmem>>, vector<32x128xi32>
    tpu.vector_store %arg4[%swap3A_241, %swap3A_242], %add3A_240 {strides = array<i32>} : memref<32x128xi32, #tpu.memory_space<vmem>>, vector<32x128xi32>,
    %iota3A_244 = tpu.iota {dimensions = array<i32: 0>} : vector<256x256xi32>
    %iota3A_245 = tpu.iota {dimensions = array<i32: 1>} : vector<256x256xi32>
    %gt3A_246 = arith.cmpi sgt, %iota3A_244, %iota3A_245 : vector<256x256xi32>
    %jit3A_247 = arith.constant 1.000000e+00 : f32
    %jit3A_248 = arith.constant 0.000000e+00 : f32
    %broadcast_in_dim3A_249 = vector.broadcast %jit3A_247 : f32 to vector<256x256xf32>
    %broadcast_in_dim3A_250 = vector.broadcast %jit3A_248 : f32 to vector<256x256xf32>
    %select_n3A_251 = arith.select %gt3A_246, %broadcast_in_dim3A_249, %broadcast_in_dim3A_250 : vector<256x256xi1>, vector<256x256xf32>
    %broadcast_in_dim3A_252 = arith.constant 0.000000e+00 : f32
    %broadcast_in_dim3A_253 = vector.broadcast %broadcast_in_dim3A_252 : f32 to vector<1x128xf32>
    %slice3A_254 = vector.extract_strided_slice %select_n3A_127 {offsets = [0, 0], sizes = [256, 128], strides = [1, 1]} : vector<2048x128xf32> to vector<256x128xf32>
    %dot_general3A_255 = arith.constant dense<0.000000e+00> : vector<256x128xf32>
    %dot_general3A_256 = tpu.matmul %select_n3A_251, %slice3A_254, %dot_general3A_255 {dimension_numbers = #tpu.dot_dimension_numbers<[1], [0], [0], [1], [0, 0, 1, 1], [], []>, transpose_lhs_hint = false} : vector<256x256xf32>, vector<256x128xf32>, vector<256x128xf32> -> vector<256x128xf32>
    %add3A_257 = vector.broadcast %broadcast_in_dim3A_253 : vector<1x128xf32> to vector<256x128xf32>
    %add3A_258 = arith.addf %dot_general3A_256, %add3A_257 : vector<256x128xf32>
    %add3A_259 = vector.broadcast %mul3A_161 : vector<1x128xf32> to vector<256x128xf32>
    %add3A_260 = arith.addf %add3A_258, %add3A_259 : vector<256x128xf32>
    %mul3A_261 = arith.mulf %add3A_260, %slice3A_254 : vector<256x128xf32>
    %reduce_sum3A_262 = arith.constant dense<0.000000e+00> : vector<256xf32>
    %reduce_sum3A_263 = vector.multi_reduction <add>, %mul3A_261, %reduce_sum3A_262 [1] : vector<256x128xf32> to vector<256xf32>
    %broadcast_in_dim3A_264 = vector.shape_cast %reduce_sum3A_263 : vector<256xf32> to vector<256x1xf32>
    %swap3A_265 = arith.constant 0 : index
    %swap3A_266 = arith.constant 0 : index
    %swap3A_267 = vector.load %arg2[%swap3A_265, %swap3A_266] : memref<4096x1xf32, #tpu.memory_space<vmem>>, vector<256x1xf32>
    tpu.vector_store %arg2[%swap3A_265, %swap3A_266], %broadcast_in_dim3A_264 {strides = array<i32>} : memref<4096x1xf32, #tpu.memory_space<vmem>>, vector<256x1xf32>,
    %reduce_sum3A_268 = arith.constant dense<0.000000e+00> : vector<128xf32>
    %reduce_sum3A_269 = vector.multi_reduction <add>, %slice3A_254, %reduce_sum3A_268 [0] : vector<256x128xf32> to vector<128xf32>
    %broadcast_in_dim3A_270 = vector.shape_cast %reduce_sum3A_269 : vector<128xf32> to vector<1x128xf32>
    %add3A_271 = arith.addf %broadcast_in_dim3A_253, %broadcast_in_dim3A_270 : vector<1x128xf32>
    %slice3A_272 = vector.extract_strided_slice %select_n3A_127 {offsets = [256, 0], sizes = [256, 128], strides = [1, 1]} : vector<2048x128xf32> to vector<256x128xf32>
    %dot_general3A_273 = arith.constant dense<0.000000e+00> : vector<256x128xf32>
    %dot_general3A_274 = tpu.matmul %select_n3A_251, %slice3A_272, %dot_general3A_273 {dimension_numbers = #tpu.dot_dimension_numbers<[1], [0], [0], [1], [0, 0, 1, 1], [], []>, transpose_lhs_hint = false} : vector<256x256xf32>, vector<256x128xf32>, vector<256x128xf32> -> vector<256x128xf32>
    %add3A_275 = vector.broadcast %add3A_271 : vector<1x128xf32> to vector<256x128xf32>
    %add3A_276 = arith.addf %dot_general3A_274, %add3A_275 : vector<256x128xf32>
    %add3A_277 = vector.broadcast %mul3A_161 : vector<1x128xf32> to vector<256x128xf32>
    %add3A_278 = arith.addf %add3A_276, %add3A_277 : vector<256x128xf32>
    %mul3A_279 = arith.mulf %add3A_278, %slice3A_272 : vector<256x128xf32>
    %reduce_sum3A_280 = arith.constant dense<0.000000e+00> : vector<256xf32>
    %reduce_sum3A_281 = vector.multi_reduction <add>, %mul3A_279, %reduce_sum3A_280 [1] : vector<256x128xf32> to vector<256xf32>
    %broadcast_in_dim3A_282 = vector.shape_cast %reduce_sum3A_281 : vector<256xf32> to vector<256x1xf32>
    %swap3A_283 = arith.constant 256 : index
    %swap3A_284 = arith.constant 0 : index
    %swap3A_285 = vector.load %arg2[%swap3A_283, %swap3A_284] : memref<4096x1xf32, #tpu.memory_space<vmem>>, vector<256x1xf32>
    tpu.vector_store %arg2[%swap3A_283, %swap3A_284], %broadcast_in_dim3A_282 {strides = array<i32>} : memref<4096x1xf32, #tpu.memory_space<vmem>>, vector<256x1xf32>,
    %reduce_sum3A_286 = arith.constant dense<0.000000e+00> : vector<128xf32>
    %reduce_sum3A_287 = vector.multi_reduction <add>, %slice3A_272, %reduce_sum3A_286 [0] : vector<256x128xf32> to vector<128xf32>
    %broadcast_in_dim3A_288 = vector.shape_cast %reduce_sum3A_287 : vector<128xf32> to vector<1x128xf32>
    %add3A_289 = arith.addf %add3A_271, %broadcast_in_dim3A_288 : vector<1x128xf32>
    %slice3A_290 = vector.extract_strided_slice %select_n3A_127 {offsets = [512, 0], sizes = [256, 128], strides = [1, 1]} : vector<2048x128xf32> to vector<256x128xf32>
    %dot_general3A_291 = arith.constant dense<0.000000e+00> : vector<256x128xf32>
    %dot_general3A_292 = tpu.matmul %select_n3A_251, %slice3A_290, %dot_general3A_291 {dimension_numbers = #tpu.dot_dimension_numbers<[1], [0], [0], [1], [0, 0, 1, 1], [], []>, transpose_lhs_hint = false} : vector<256x256xf32>, vector<256x128xf32>, vector<256x128xf32> -> vector<256x128xf32>
    %add3A_293 = vector.broadcast %add3A_289 : vector<1x128xf32> to vector<256x128xf32>
    %add3A_294 = arith.addf %dot_general3A_292, %add3A_293 : vector<256x128xf32>
    %add3A_295 = vector.broadcast %mul3A_161 : vector<1x128xf32> to vector<256x128xf32>
    %add3A_296 = arith.addf %add3A_294, %add3A_295 : vector<256x128xf32>
    %mul3A_297 = arith.mulf %add3A_296, %slice3A_290 : vector<256x128xf32>
    %reduce_sum3A_298 = arith.constant dense<0.000000e+00> : vector<256xf32>
    %reduce_sum3A_299 = vector.multi_reduction <add>, %mul3A_297, %reduce_sum3A_298 [1] : vector<256x128xf32> to vector<256xf32>
    %broadcast_in_dim3A_300 = vector.shape_cast %reduce_sum3A_299 : vector<256xf32> to vector<256x1xf32>
    %swap3A_301 = arith.constant 512 : index
    %swap3A_302 = arith.constant 0 : index
    %swap3A_303 = vector.load %arg2[%swap3A_301, %swap3A_302] : memref<4096x1xf32, #tpu.memory_space<vmem>>, vector<256x1xf32>
    tpu.vector_store %arg2[%swap3A_301, %swap3A_302], %broadcast_in_dim3A_300 {strides = array<i32>} : memref<4096x1xf32, #tpu.memory_space<vmem>>, vector<256x1xf32>,
    %reduce_sum3A_304 = arith.constant dense<0.000000e+00> : vector<128xf32>
    %reduce_sum3A_305 = vector.multi_reduction <add>, %slice3A_290, %reduce_sum3A_304 [0] : vector<256x128xf32> to vector<128xf32>
    %broadcast_in_dim3A_306 = vector.shape_cast %reduce_sum3A_305 : vector<128xf32> to vector<1x128xf32>
    %add3A_307 = arith.addf %add3A_289, %broadcast_in_dim3A_306 : vector<1x128xf32>
    %slice3A_308 = vector.extract_strided_slice %select_n3A_127 {offsets = [768, 0], sizes = [256, 128], strides = [1, 1]} : vector<2048x128xf32> to vector<256x128xf32>
    %dot_general3A_309 = arith.constant dense<0.000000e+00> : vector<256x128xf32>
    %dot_general3A_310 = tpu.matmul %select_n3A_251, %slice3A_308, %dot_general3A_309 {dimension_numbers = #tpu.dot_dimension_numbers<[1], [0], [0], [1], [0, 0, 1, 1], [], []>, transpose_lhs_hint = false} : vector<256x256xf32>, vector<256x128xf32>, vector<256x128xf32> -> vector<256x128xf32>
    %add3A_311 = vector.broadcast %add3A_307 : vector<1x128xf32> to vector<256x128xf32>
    %add3A_312 = arith.addf %dot_general3A_310, %add3A_311 : vector<256x128xf32>
    %add3A_313 = vector.broadcast %mul3A_161 : vector<1x128xf32> to vector<256x128xf32>
    %add3A_314 = arith.addf %add3A_312, %add3A_313 : vector<256x128xf32>
    %mul3A_315 = arith.mulf %add3A_314, %slice3A_308 : vector<256x128xf32>
    %reduce_sum3A_316 = arith.constant dense<0.000000e+00> : vector<256xf32>
    %reduce_sum3A_317 = vector.multi_reduction <add>, %mul3A_315, %reduce_sum3A_316 [1] : vector<256x128xf32> to vector<256xf32>
    %broadcast_in_dim3A_318 = vector.shape_cast %reduce_sum3A_317 : vector<256xf32> to vector<256x1xf32>
    %swap3A_319 = arith.constant 768 : index
    %swap3A_320 = arith.constant 0 : index
    %swap3A_321 = vector.load %arg2[%swap3A_319, %swap3A_320] : memref<4096x1xf32, #tpu.memory_space<vmem>>, vector<256x1xf32>
    tpu.vector_store %arg2[%swap3A_319, %swap3A_320], %broadcast_in_dim3A_318 {strides = array<i32>} : memref<4096x1xf32, #tpu.memory_space<vmem>>, vector<256x1xf32>,
    %reduce_sum3A_322 = arith.constant dense<0.000000e+00> : vector<128xf32>
    %reduce_sum3A_323 = vector.multi_reduction <add>, %slice3A_308, %reduce_sum3A_322 [0] : vector<256x128xf32> to vector<128xf32>
    %broadcast_in_dim3A_324 = vector.shape_cast %reduce_sum3A_323 : vector<128xf32> to vector<1x128xf32>
    %add3A_325 = arith.addf %add3A_307, %broadcast_in_dim3A_324 : vector<1x128xf32>
    %slice3A_326 = vector.extract_strided_slice %select_n3A_127 {offsets = [1024, 0], sizes = [256, 128], strides = [1, 1]} : vector<2048x128xf32> to vector<256x128xf32>
    %dot_general3A_327 = arith.constant dense<0.000000e+00> : vector<256x128xf32>
    %dot_general3A_328 = tpu.matmul %select_n3A_251, %slice3A_326, %dot_general3A_327 {dimension_numbers = #tpu.dot_dimension_numbers<[1], [0], [0], [1], [0, 0, 1, 1], [], []>, transpose_lhs_hint = false} : vector<256x256xf32>, vector<256x128xf32>, vector<256x128xf32> -> vector<256x128xf32>
    %add3A_329 = vector.broadcast %add3A_325 : vector<1x128xf32> to vector<256x128xf32>
    %add3A_330 = arith.addf %dot_general3A_328, %add3A_329 : vector<256x128xf32>
    %add3A_331 = vector.broadcast %mul3A_161 : vector<1x128xf32> to vector<256x128xf32>
    %add3A_332 = arith.addf %add3A_330, %add3A_331 : vector<256x128xf32>
    %mul3A_333 = arith.mulf %add3A_332, %slice3A_326 : vector<256x128xf32>
    %reduce_sum3A_334 = arith.constant dense<0.000000e+00> : vector<256xf32>
    %reduce_sum3A_335 = vector.multi_reduction <add>, %mul3A_333, %reduce_sum3A_334 [1] : vector<256x128xf32> to vector<256xf32>
    %broadcast_in_dim3A_336 = vector.shape_cast %reduce_sum3A_335 : vector<256xf32> to vector<256x1xf32>
    %swap3A_337 = arith.constant 1024 : index
    %swap3A_338 = arith.constant 0 : index
    %swap3A_339 = vector.load %arg2[%swap3A_337, %swap3A_338] : memref<4096x1xf32, #tpu.memory_space<vmem>>, vector<256x1xf32>
    tpu.vector_store %arg2[%swap3A_337, %swap3A_338], %broadcast_in_dim3A_336 {strides = array<i32>} : memref<4096x1xf32, #tpu.memory_space<vmem>>, vector<256x1xf32>,
    %reduce_sum3A_340 = arith.constant dense<0.000000e+00> : vector<128xf32>
    %reduce_sum3A_341 = vector.multi_reduction <add>, %slice3A_326, %reduce_sum3A_340 [0] : vector<256x128xf32> to vector<128xf32>
    %broadcast_in_dim3A_342 = vector.shape_cast %reduce_sum3A_341 : vector<128xf32> to vector<1x128xf32>
    %add3A_343 = arith.addf %add3A_325, %broadcast_in_dim3A_342 : vector<1x128xf32>
    %slice3A_344 = vector.extract_strided_slice %select_n3A_127 {offsets = [1280, 0], sizes = [256, 128], strides = [1, 1]} : vector<2048x128xf32> to vector<256x128xf32>
    %dot_general3A_345 = arith.constant dense<0.000000e+00> : vector<256x128xf32>
    %dot_general3A_346 = tpu.matmul %select_n3A_251, %slice3A_344, %dot_general3A_345 {dimension_numbers = #tpu.dot_dimension_numbers<[1], [0], [0], [1], [0, 0, 1, 1], [], []>, transpose_lhs_hint = false} : vector<256x256xf32>, vector<256x128xf32>, vector<256x128xf32> -> vector<256x128xf32>
    %add3A_347 = vector.broadcast %add3A_343 : vector<1x128xf32> to vector<256x128xf32>
    %add3A_348 = arith.addf %dot_general3A_346, %add3A_347 : vector<256x128xf32>
    %add3A_349 = vector.broadcast %mul3A_161 : vector<1x128xf32> to vector<256x128xf32>
    %add3A_350 = arith.addf %add3A_348, %add3A_349 : vector<256x128xf32>
    %mul3A_351 = arith.mulf %add3A_350, %slice3A_344 : vector<256x128xf32>
    %reduce_sum3A_352 = arith.constant dense<0.000000e+00> : vector<256xf32>
    %reduce_sum3A_353 = vector.multi_reduction <add>, %mul3A_351, %reduce_sum3A_352 [1] : vector<256x128xf32> to vector<256xf32>
    %broadcast_in_dim3A_354 = vector.shape_cast %reduce_sum3A_353 : vector<256xf32> to vector<256x1xf32>
    %swap3A_355 = arith.constant 1280 : index
    %swap3A_356 = arith.constant 0 : index
    %swap3A_357 = vector.load %arg2[%swap3A_355, %swap3A_356] : memref<4096x1xf32, #tpu.memory_space<vmem>>, vector<256x1xf32>
    tpu.vector_store %arg2[%swap3A_355, %swap3A_356], %broadcast_in_dim3A_354 {strides = array<i32>} : memref<4096x1xf32, #tpu.memory_space<vmem>>, vector<256x1xf32>,
    %reduce_sum3A_358 = arith.constant dense<0.000000e+00> : vector<128xf32>
    %reduce_sum3A_359 = vector.multi_reduction <add>, %slice3A_344, %reduce_sum3A_358 [0] : vector<256x128xf32> to vector<128xf32>
    %broadcast_in_dim3A_360 = vector.shape_cast %reduce_sum3A_359 : vector<128xf32> to vector<1x128xf32>
    %add3A_361 = arith.addf %add3A_343, %broadcast_in_dim3A_360 : vector<1x128xf32>
    %slice3A_362 = vector.extract_strided_slice %select_n3A_127 {offsets = [1536, 0], sizes = [256, 128], strides = [1, 1]} : vector<2048x128xf32> to vector<256x128xf32>
    %dot_general3A_363 = arith.constant dense<0.000000e+00> : vector<256x128xf32>
    %dot_general3A_364 = tpu.matmul %select_n3A_251, %slice3A_362, %dot_general3A_363 {dimension_numbers = #tpu.dot_dimension_numbers<[1], [0], [0], [1], [0, 0, 1, 1], [], []>, transpose_lhs_hint = false} : vector<256x256xf32>, vector<256x128xf32>, vector<256x128xf32> -> vector<256x128xf32>
    %add3A_365 = vector.broadcast %add3A_361 : vector<1x128xf32> to vector<256x128xf32>
    %add3A_366 = arith.addf %dot_general3A_364, %add3A_365 : vector<256x128xf32>
    %add3A_367 = vector.broadcast %mul3A_161 : vector<1x128xf32> to vector<256x128xf32>
    %add3A_368 = arith.addf %add3A_366, %add3A_367 : vector<256x128xf32>
    %mul3A_369 = arith.mulf %add3A_368, %slice3A_362 : vector<256x128xf32>
    %reduce_sum3A_370 = arith.constant dense<0.000000e+00> : vector<256xf32>
    %reduce_sum3A_371 = vector.multi_reduction <add>, %mul3A_369, %reduce_sum3A_370 [1] : vector<256x128xf32> to vector<256xf32>
    %broadcast_in_dim3A_372 = vector.shape_cast %reduce_sum3A_371 : vector<256xf32> to vector<256x1xf32>
    %swap3A_373 = arith.constant 1536 : index
    %swap3A_374 = arith.constant 0 : index
    %swap3A_375 = vector.load %arg2[%swap3A_373, %swap3A_374] : memref<4096x1xf32, #tpu.memory_space<vmem>>, vector<256x1xf32>
    tpu.vector_store %arg2[%swap3A_373, %swap3A_374], %broadcast_in_dim3A_372 {strides = array<i32>} : memref<4096x1xf32, #tpu.memory_space<vmem>>, vector<256x1xf32>,
    %reduce_sum3A_376 = arith.constant dense<0.000000e+00> : vector<128xf32>
    %reduce_sum3A_377 = vector.multi_reduction <add>, %slice3A_362, %reduce_sum3A_376 [0] : vector<256x128xf32> to vector<128xf32>
    %broadcast_in_dim3A_378 = vector.shape_cast %reduce_sum3A_377 : vector<128xf32> to vector<1x128xf32>
    %add3A_379 = arith.addf %add3A_361, %broadcast_in_dim3A_378 : vector<1x128xf32>
    %slice3A_380 = vector.extract_strided_slice %select_n3A_127 {offsets = [1792, 0], sizes = [256, 128], strides = [1, 1]} : vector<2048x128xf32> to vector<256x128xf32>
    %dot_general3A_381 = arith.constant dense<0.000000e+00> : vector<256x128xf32>
    %dot_general3A_382 = tpu.matmul %select_n3A_251, %slice3A_380, %dot_general3A_381 {dimension_numbers = #tpu.dot_dimension_numbers<[1], [0], [0], [1], [0, 0, 1, 1], [], []>, transpose_lhs_hint = false} : vector<256x256xf32>, vector<256x128xf32>, vector<256x128xf32> -> vector<256x128xf32>
    %add3A_383 = vector.broadcast %add3A_379 : vector<1x128xf32> to vector<256x128xf32>
    %add3A_384 = arith.addf %dot_general3A_382, %add3A_383 : vector<256x128xf32>
    %add3A_385 = vector.broadcast %mul3A_161 : vector<1x128xf32> to vector<256x128xf32>
    %add3A_386 = arith.addf %add3A_384, %add3A_385 : vector<256x128xf32>
    %mul3A_387 = arith.mulf %add3A_386, %slice3A_380 : vector<256x128xf32>
    %reduce_sum3A_388 = arith.constant dense<0.000000e+00> : vector<256xf32>
    %reduce_sum3A_389 = vector.multi_reduction <add>, %mul3A_387, %reduce_sum3A_388 [1] : vector<256x128xf32> to vector<256xf32>
    %broadcast_in_dim3A_390 = vector.shape_cast %reduce_sum3A_389 : vector<256xf32> to vector<256x1xf32>
    %swap3A_391 = arith.constant 1792 : index
    %swap3A_392 = arith.constant 0 : index
    %swap3A_393 = vector.load %arg2[%swap3A_391, %swap3A_392] : memref<4096x1xf32, #tpu.memory_space<vmem>>, vector<256x1xf32>
    tpu.vector_store %arg2[%swap3A_391, %swap3A_392], %broadcast_in_dim3A_390 {strides = array<i32>} : memref<4096x1xf32, #tpu.memory_space<vmem>>, vector<256x1xf32>,
    %reduce_sum3A_394 = arith.constant dense<0.000000e+00> : vector<128xf32>
    %reduce_sum3A_395 = vector.multi_reduction <add>, %slice3A_380, %reduce_sum3A_394 [0] : vector<256x128xf32> to vector<128xf32>
    %broadcast_in_dim3A_396 = vector.shape_cast %reduce_sum3A_395 : vector<128xf32> to vector<1x128xf32>
    %add3A_397 = arith.addf %add3A_379, %broadcast_in_dim3A_396 : vector<1x128xf32>
    %slice3A_398 = vector.extract_strided_slice %select_n3A_135 {offsets = [0, 0], sizes = [256, 128], strides = [1, 1]} : vector<2048x128xf32> to vector<256x128xf32>
    %dot_general3A_399 = arith.constant dense<0.000000e+00> : vector<256x128xf32>
    %dot_general3A_400 = tpu.matmul %select_n3A_251, %slice3A_398, %dot_general3A_399 {dimension_numbers = #tpu.dot_dimension_numbers<[1], [0], [0], [1], [0, 0, 1, 1], [], []>, transpose_lhs_hint = false} : vector<256x256xf32>, vector<256x128xf32>, vector<256x128xf32> -> vector<256x128xf32>
    %add3A_401 = vector.broadcast %add3A_397 : vector<1x128xf32> to vector<256x128xf32>
    %add3A_402 = arith.addf %dot_general3A_400, %add3A_401 : vector<256x128xf32>
    %add3A_403 = vector.broadcast %mul3A_161 : vector<1x128xf32> to vector<256x128xf32>
    %add3A_404 = arith.addf %add3A_402, %add3A_403 : vector<256x128xf32>
    %mul3A_405 = arith.mulf %add3A_404, %slice3A_398 : vector<256x128xf32>
    %reduce_sum3A_406 = arith.constant dense<0.000000e+00> : vector<256xf32>
    %reduce_sum3A_407 = vector.multi_reduction <add>, %mul3A_405, %reduce_sum3A_406 [1] : vector<256x128xf32> to vector<256xf32>
    %broadcast_in_dim3A_408 = vector.shape_cast %reduce_sum3A_407 : vector<256xf32> to vector<256x1xf32>
    %swap3A_409 = arith.constant 2048 : index
    %swap3A_410 = arith.constant 0 : index
    %swap3A_411 = vector.load %arg2[%swap3A_409, %swap3A_410] : memref<4096x1xf32, #tpu.memory_space<vmem>>, vector<256x1xf32>
    tpu.vector_store %arg2[%swap3A_409, %swap3A_410], %broadcast_in_dim3A_408 {strides = array<i32>} : memref<4096x1xf32, #tpu.memory_space<vmem>>, vector<256x1xf32>,
    %reduce_sum3A_412 = arith.constant dense<0.000000e+00> : vector<128xf32>
    %reduce_sum3A_413 = vector.multi_reduction <add>, %slice3A_398, %reduce_sum3A_412 [0] : vector<256x128xf32> to vector<128xf32>
    %broadcast_in_dim3A_414 = vector.shape_cast %reduce_sum3A_413 : vector<128xf32> to vector<1x128xf32>
    %add3A_415 = arith.addf %add3A_397, %broadcast_in_dim3A_414 : vector<1x128xf32>
    %slice3A_416 = vector.extract_strided_slice %select_n3A_135 {offsets = [256, 0], sizes = [256, 128], strides = [1, 1]} : vector<2048x128xf32> to vector<256x128xf32>
    %dot_general3A_417 = arith.constant dense<0.000000e+00> : vector<256x128xf32>
    %dot_general3A_418 = tpu.matmul %select_n3A_251, %slice3A_416, %dot_general3A_417 {dimension_numbers = #tpu.dot_dimension_numbers<[1], [0], [0], [1], [0, 0, 1, 1], [], []>, transpose_lhs_hint = false} : vector<256x256xf32>, vector<256x128xf32>, vector<256x128xf32> -> vector<256x128xf32>
    %add3A_419 = vector.broadcast %add3A_415 : vector<1x128xf32> to vector<256x128xf32>
    %add3A_420 = arith.addf %dot_general3A_418, %add3A_419 : vector<256x128xf32>
    %add3A_421 = vector.broadcast %mul3A_161 : vector<1x128xf32> to vector<256x128xf32>
    %add3A_422 = arith.addf %add3A_420, %add3A_421 : vector<256x128xf32>
    %mul3A_423 = arith.mulf %add3A_422, %slice3A_416 : vector<256x128xf32>
    %reduce_sum3A_424 = arith.constant dense<0.000000e+00> : vector<256xf32>
    %reduce_sum3A_425 = vector.multi_reduction <add>, %mul3A_423, %reduce_sum3A_424 [1] : vector<256x128xf32> to vector<256xf32>
    %broadcast_in_dim3A_426 = vector.shape_cast %reduce_sum3A_425 : vector<256xf32> to vector<256x1xf32>
    %swap3A_427 = arith.constant 2304 : index
    %swap3A_428 = arith.constant 0 : index
    %swap3A_429 = vector.load %arg2[%swap3A_427, %swap3A_428] : memref<4096x1xf32, #tpu.memory_space<vmem>>, vector<256x1xf32>
    tpu.vector_store %arg2[%swap3A_427, %swap3A_428], %broadcast_in_dim3A_426 {strides = array<i32>} : memref<4096x1xf32, #tpu.memory_space<vmem>>, vector<256x1xf32>,
    %reduce_sum3A_430 = arith.constant dense<0.000000e+00> : vector<128xf32>
    %reduce_sum3A_431 = vector.multi_reduction <add>, %slice3A_416, %reduce_sum3A_430 [0] : vector<256x128xf32> to vector<128xf32>
    %broadcast_in_dim3A_432 = vector.shape_cast %reduce_sum3A_431 : vector<128xf32> to vector<1x128xf32>
    %add3A_433 = arith.addf %add3A_415, %broadcast_in_dim3A_432 : vector<1x128xf32>
    %slice3A_434 = vector.extract_strided_slice %select_n3A_135 {offsets = [512, 0], sizes = [256, 128], strides = [1, 1]} : vector<2048x128xf32> to vector<256x128xf32>
    %dot_general3A_435 = arith.constant dense<0.000000e+00> : vector<256x128xf32>
    %dot_general3A_436 = tpu.matmul %select_n3A_251, %slice3A_434, %dot_general3A_435 {dimension_numbers = #tpu.dot_dimension_numbers<[1], [0], [0], [1], [0, 0, 1, 1], [], []>, transpose_lhs_hint = false} : vector<256x256xf32>, vector<256x128xf32>, vector<256x128xf32> -> vector<256x128xf32>
    %add3A_437 = vector.broadcast %add3A_433 : vector<1x128xf32> to vector<256x128xf32>
    %add3A_438 = arith.addf %dot_general3A_436, %add3A_437 : vector<256x128xf32>
    %add3A_439 = vector.broadcast %mul3A_161 : vector<1x128xf32> to vector<256x128xf32>
    %add3A_440 = arith.addf %add3A_438, %add3A_439 : vector<256x128xf32>
    %mul3A_441 = arith.mulf %add3A_440, %slice3A_434 : vector<256x128xf32>
    %reduce_sum3A_442 = arith.constant dense<0.000000e+00> : vector<256xf32>
    %reduce_sum3A_443 = vector.multi_reduction <add>, %mul3A_441, %reduce_sum3A_442 [1] : vector<256x128xf32> to vector<256xf32>
    %broadcast_in_dim3A_444 = vector.shape_cast %reduce_sum3A_443 : vector<256xf32> to vector<256x1xf32>
    %swap3A_445 = arith.constant 2560 : index
    %swap3A_446 = arith.constant 0 : index
    %swap3A_447 = vector.load %arg2[%swap3A_445, %swap3A_446] : memref<4096x1xf32, #tpu.memory_space<vmem>>, vector<256x1xf32>
    tpu.vector_store %arg2[%swap3A_445, %swap3A_446], %broadcast_in_dim3A_444 {strides = array<i32>} : memref<4096x1xf32, #tpu.memory_space<vmem>>, vector<256x1xf32>,
    %reduce_sum3A_448 = arith.constant dense<0.000000e+00> : vector<128xf32>
    %reduce_sum3A_449 = vector.multi_reduction <add>, %slice3A_434, %reduce_sum3A_448 [0] : vector<256x128xf32> to vector<128xf32>
    %broadcast_in_dim3A_450 = vector.shape_cast %reduce_sum3A_449 : vector<128xf32> to vector<1x128xf32>
    %add3A_451 = arith.addf %add3A_433, %broadcast_in_dim3A_450 : vector<1x128xf32>
    %slice3A_452 = vector.extract_strided_slice %select_n3A_135 {offsets = [768, 0], sizes = [256, 128], strides = [1, 1]} : vector<2048x128xf32> to vector<256x128xf32>
    %dot_general3A_453 = arith.constant dense<0.000000e+00> : vector<256x128xf32>
    %dot_general3A_454 = tpu.matmul %select_n3A_251, %slice3A_452, %dot_general3A_453 {dimension_numbers = #tpu.dot_dimension_numbers<[1], [0], [0], [1], [0, 0, 1, 1], [], []>, transpose_lhs_hint = false} : vector<256x256xf32>, vector<256x128xf32>, vector<256x128xf32> -> vector<256x128xf32>
    %add3A_455 = vector.broadcast %add3A_451 : vector<1x128xf32> to vector<256x128xf32>
    %add3A_456 = arith.addf %dot_general3A_454, %add3A_455 : vector<256x128xf32>
    %add3A_457 = vector.broadcast %mul3A_161 : vector<1x128xf32> to vector<256x128xf32>
    %add3A_458 = arith.addf %add3A_456, %add3A_457 : vector<256x128xf32>
    %mul3A_459 = arith.mulf %add3A_458, %slice3A_452 : vector<256x128xf32>
    %reduce_sum3A_460 = arith.constant dense<0.000000e+00> : vector<256xf32>
    %reduce_sum3A_461 = vector.multi_reduction <add>, %mul3A_459, %reduce_sum3A_460 [1] : vector<256x128xf32> to vector<256xf32>
    %broadcast_in_dim3A_462 = vector.shape_cast %reduce_sum3A_461 : vector<256xf32> to vector<256x1xf32>
    %swap3A_463 = arith.constant 2816 : index
    %swap3A_464 = arith.constant 0 : index
    %swap3A_465 = vector.load %arg2[%swap3A_463, %swap3A_464] : memref<4096x1xf32, #tpu.memory_space<vmem>>, vector<256x1xf32>
    tpu.vector_store %arg2[%swap3A_463, %swap3A_464], %broadcast_in_dim3A_462 {strides = array<i32>} : memref<4096x1xf32, #tpu.memory_space<vmem>>, vector<256x1xf32>,
    %reduce_sum3A_466 = arith.constant dense<0.000000e+00> : vector<128xf32>
    %reduce_sum3A_467 = vector.multi_reduction <add>, %slice3A_452, %reduce_sum3A_466 [0] : vector<256x128xf32> to vector<128xf32>
    %broadcast_in_dim3A_468 = vector.shape_cast %reduce_sum3A_467 : vector<128xf32> to vector<1x128xf32>
    %add3A_469 = arith.addf %add3A_451, %broadcast_in_dim3A_468 : vector<1x128xf32>
    %slice3A_470 = vector.extract_strided_slice %select_n3A_135 {offsets = [1024, 0], sizes = [256, 128], strides = [1, 1]} : vector<2048x128xf32> to vector<256x128xf32>
    %dot_general3A_471 = arith.constant dense<0.000000e+00> : vector<256x128xf32>
    %dot_general3A_472 = tpu.matmul %select_n3A_251, %slice3A_470, %dot_general3A_471 {dimension_numbers = #tpu.dot_dimension_numbers<[1], [0], [0], [1], [0, 0, 1, 1], [], []>, transpose_lhs_hint = false} : vector<256x256xf32>, vector<256x128xf32>, vector<256x128xf32> -> vector<256x128xf32>
    %add3A_473 = vector.broadcast %add3A_469 : vector<1x128xf32> to vector<256x128xf32>
    %add3A_474 = arith.addf %dot_general3A_472, %add3A_473 : vector<256x128xf32>
    %add3A_475 = vector.broadcast %mul3A_161 : vector<1x128xf32> to vector<256x128xf32>
    %add3A_476 = arith.addf %add3A_474, %add3A_475 : vector<256x128xf32>
    %mul3A_477 = arith.mulf %add3A_476, %slice3A_470 : vector<256x128xf32>
    %reduce_sum3A_478 = arith.constant dense<0.000000e+00> : vector<256xf32>
    %reduce_sum3A_479 = vector.multi_reduction <add>, %mul3A_477, %reduce_sum3A_478 [1] : vector<256x128xf32> to vector<256xf32>
    %broadcast_in_dim3A_480 = vector.shape_cast %reduce_sum3A_479 : vector<256xf32> to vector<256x1xf32>
    %swap3A_481 = arith.constant 3072 : index
    %swap3A_482 = arith.constant 0 : index
    %swap3A_483 = vector.load %arg2[%swap3A_481, %swap3A_482] : memref<4096x1xf32, #tpu.memory_space<vmem>>, vector<256x1xf32>
    tpu.vector_store %arg2[%swap3A_481, %swap3A_482], %broadcast_in_dim3A_480 {strides = array<i32>} : memref<4096x1xf32, #tpu.memory_space<vmem>>, vector<256x1xf32>,
    %reduce_sum3A_484 = arith.constant dense<0.000000e+00> : vector<128xf32>
    %reduce_sum3A_485 = vector.multi_reduction <add>, %slice3A_470, %reduce_sum3A_484 [0] : vector<256x128xf32> to vector<128xf32>
    %broadcast_in_dim3A_486 = vector.shape_cast %reduce_sum3A_485 : vector<128xf32> to vector<1x128xf32>
    %add3A_487 = arith.addf %add3A_469, %broadcast_in_dim3A_486 : vector<1x128xf32>
    %slice3A_488 = vector.extract_strided_slice %select_n3A_135 {offsets = [1280, 0], sizes = [256, 128], strides = [1, 1]} : vector<2048x128xf32> to vector<256x128xf32>
    %dot_general3A_489 = arith.constant dense<0.000000e+00> : vector<256x128xf32>
    %dot_general3A_490 = tpu.matmul %select_n3A_251, %slice3A_488, %dot_general3A_489 {dimension_numbers = #tpu.dot_dimension_numbers<[1], [0], [0], [1], [0, 0, 1, 1], [], []>, transpose_lhs_hint = false} : vector<256x256xf32>, vector<256x128xf32>, vector<256x128xf32> -> vector<256x128xf32>
    %add3A_491 = vector.broadcast %add3A_487 : vector<1x128xf32> to vector<256x128xf32>
    %add3A_492 = arith.addf %dot_general3A_490, %add3A_491 : vector<256x128xf32>
    %add3A_493 = vector.broadcast %mul3A_161 : vector<1x128xf32> to vector<256x128xf32>
    %add3A_494 = arith.addf %add3A_492, %add3A_493 : vector<256x128xf32>
    %mul3A_495 = arith.mulf %add3A_494, %slice3A_488 : vector<256x128xf32>
    %reduce_sum3A_496 = arith.constant dense<0.000000e+00> : vector<256xf32>
    %reduce_sum3A_497 = vector.multi_reduction <add>, %mul3A_495, %reduce_sum3A_496 [1] : vector<256x128xf32> to vector<256xf32>
    %broadcast_in_dim3A_498 = vector.shape_cast %reduce_sum3A_497 : vector<256xf32> to vector<256x1xf32>
    %swap3A_499 = arith.constant 3328 : index
    %swap3A_500 = arith.constant 0 : index
    %swap3A_501 = vector.load %arg2[%swap3A_499, %swap3A_500] : memref<4096x1xf32, #tpu.memory_space<vmem>>, vector<256x1xf32>
    tpu.vector_store %arg2[%swap3A_499, %swap3A_500], %broadcast_in_dim3A_498 {strides = array<i32>} : memref<4096x1xf32, #tpu.memory_space<vmem>>, vector<256x1xf32>,
    %reduce_sum3A_502 = arith.constant dense<0.000000e+00> : vector<128xf32>
    %reduce_sum3A_503 = vector.multi_reduction <add>, %slice3A_488, %reduce_sum3A_502 [0] : vector<256x128xf32> to vector<128xf32>
    %broadcast_in_dim3A_504 = vector.shape_cast %reduce_sum3A_503 : vector<128xf32> to vector<1x128xf32>
    %add3A_505 = arith.addf %add3A_487, %broadcast_in_dim3A_504 : vector<1x128xf32>
    %slice3A_506 = vector.extract_strided_slice %select_n3A_135 {offsets = [1536, 0], sizes = [256, 128], strides = [1, 1]} : vector<2048x128xf32> to vector<256x128xf32>
    %dot_general3A_507 = arith.constant dense<0.000000e+00> : vector<256x128xf32>
    %dot_general3A_508 = tpu.matmul %select_n3A_251, %slice3A_506, %dot_general3A_507 {dimension_numbers = #tpu.dot_dimension_numbers<[1], [0], [0], [1], [0, 0, 1, 1], [], []>, transpose_lhs_hint = false} : vector<256x256xf32>, vector<256x128xf32>, vector<256x128xf32> -> vector<256x128xf32>
    %add3A_509 = vector.broadcast %add3A_505 : vector<1x128xf32> to vector<256x128xf32>
    %add3A_510 = arith.addf %dot_general3A_508, %add3A_509 : vector<256x128xf32>
    %add3A_511 = vector.broadcast %mul3A_161 : vector<1x128xf32> to vector<256x128xf32>
    %add3A_512 = arith.addf %add3A_510, %add3A_511 : vector<256x128xf32>
    %mul3A_513 = arith.mulf %add3A_512, %slice3A_506 : vector<256x128xf32>
    %reduce_sum3A_514 = arith.constant dense<0.000000e+00> : vector<256xf32>
    %reduce_sum3A_515 = vector.multi_reduction <add>, %mul3A_513, %reduce_sum3A_514 [1] : vector<256x128xf32> to vector<256xf32>
    %broadcast_in_dim3A_516 = vector.shape_cast %reduce_sum3A_515 : vector<256xf32> to vector<256x1xf32>
    %swap3A_517 = arith.constant 3584 : index
    %swap3A_518 = arith.constant 0 : index
    %swap3A_519 = vector.load %arg2[%swap3A_517, %swap3A_518] : memref<4096x1xf32, #tpu.memory_space<vmem>>, vector<256x1xf32>
    tpu.vector_store %arg2[%swap3A_517, %swap3A_518], %broadcast_in_dim3A_516 {strides = array<i32>} : memref<4096x1xf32, #tpu.memory_space<vmem>>, vector<256x1xf32>,
    %reduce_sum3A_520 = arith.constant dense<0.000000e+00> : vector<128xf32>
    %reduce_sum3A_521 = vector.multi_reduction <add>, %slice3A_506, %reduce_sum3A_520 [0] : vector<256x128xf32> to vector<128xf32>
    %broadcast_in_dim3A_522 = vector.shape_cast %reduce_sum3A_521 : vector<128xf32> to vector<1x128xf32>
    %add3A_523 = arith.addf %add3A_505, %broadcast_in_dim3A_522 : vector<1x128xf32>
    %slice3A_524 = vector.extract_strided_slice %select_n3A_135 {offsets = [1792, 0], sizes = [256, 128], strides = [1, 1]} : vector<2048x128xf32> to vector<256x128xf32>
    %dot_general3A_525 = arith.constant dense<0.000000e+00> : vector<256x128xf32>
    %dot_general3A_526 = tpu.matmul %select_n3A_251, %slice3A_524, %dot_general3A_525 {dimension_numbers = #tpu.dot_dimension_numbers<[1], [0], [0], [1], [0, 0, 1, 1], [], []>, transpose_lhs_hint = false} : vector<256x256xf32>, vector<256x128xf32>, vector<256x128xf32> -> vector<256x128xf32>
    %add3A_527 = vector.broadcast %add3A_523 : vector<1x128xf32> to vector<256x128xf32>
    %add3A_528 = arith.addf %dot_general3A_526, %add3A_527 : vector<256x128xf32>
    %add3A_529 = vector.broadcast %mul3A_161 : vector<1x128xf32> to vector<256x128xf32>
    %add3A_530 = arith.addf %add3A_528, %add3A_529 : vector<256x128xf32>
    %mul3A_531 = arith.mulf %add3A_530, %slice3A_524 : vector<256x128xf32>
    %reduce_sum3A_532 = arith.constant dense<0.000000e+00> : vector<256xf32>
    %reduce_sum3A_533 = vector.multi_reduction <add>, %mul3A_531, %reduce_sum3A_532 [1] : vector<256x128xf32> to vector<256xf32>
    %broadcast_in_dim3A_534 = vector.shape_cast %reduce_sum3A_533 : vector<256xf32> to vector<256x1xf32>
    %swap3A_535 = arith.constant 3840 : index
    %swap3A_536 = arith.constant 0 : index
    %swap3A_537 = vector.load %arg2[%swap3A_535, %swap3A_536] : memref<4096x1xf32, #tpu.memory_space<vmem>>, vector<256x1xf32>
    tpu.vector_store %arg2[%swap3A_535, %swap3A_536], %broadcast_in_dim3A_534 {strides = array<i32>} : memref<4096x1xf32, #tpu.memory_space<vmem>>, vector<256x1xf32>,
    return
  }
}

module attributes {stable_mosaic.version = 14 : i64} {
  func.func @_permute_body(%arg0: i32, %arg1: memref<1x4096xf32, #tpu.memory_space<vmem>>, %arg2: memref<4096x128xf32, #tpu.memory_space<vmem>>, %arg3: memref<256x128xf32, #tpu.memory_space<vmem>>) attributes {dimension_semantics = [#tpu.dimension_semantics<arbitrary>], iteration_bounds = array<i64: 23>, scalar_prefetch = 0 : i64, scratch_operands = 0 : i64, tpu.core_type = #tpu.core_type<tc>, window_params = [{pipeline_mode = #tpu.pipeline_mode<synchronous>, transform_indices = @transform_0, window_bounds = array<i64: 1, 4096>}, {pipeline_mode = #tpu.pipeline_mode<synchronous>, transform_indices = @transform_1, window_bounds = array<i64: 4096, 128>}, {transform_indices = @transform_2, window_bounds = array<i64: 256, 128>}]} {
    %mul3A = arith.constant 256 : i32
    %mul3A_0 = arith.muli %arg0, %mul3A : i32
    %iota3A = tpu.iota {dimensions = array<i32: 0>} : vector<256x1xi32>
    %add3A = vector.broadcast %mul3A_0 : i32 to vector<256x1xi32>
    %add3A_1 = arith.addi %iota3A, %add3A : vector<256x1xi32>
    %convert_element_type3A = arith.sitofp %add3A_1 : vector<256x1xi32> to vector<256x1xf32>
    %get3A = arith.constant 0 : index
    %get3A_2 = arith.constant 0 : index
    %get3A_3 = vector.load %arg1[%get3A, %get3A_2] : memref<1x4096xf32, #tpu.memory_space<vmem>>, vector<1x4096xf32>
    %eq3A = vector.broadcast %get3A_3 : vector<1x4096xf32> to vector<256x4096xf32>
    %eq3A_4 = vector.broadcast %convert_element_type3A : vector<256x1xf32> to vector<256x4096xf32>
    %eq3A_5 = arith.cmpf oeq, %eq3A, %eq3A_4 : vector<256x4096xf32>
    %jit3A = arith.constant 1.000000e+00 : f32
    %jit3A_6 = arith.constant 0.000000e+00 : f32
    %broadcast_in_dim3A = vector.broadcast %jit3A : f32 to vector<256x4096xf32>
    %broadcast_in_dim3A_7 = vector.broadcast %jit3A_6 : f32 to vector<256x4096xf32>
    %select_n3A = arith.select %eq3A_5, %broadcast_in_dim3A, %broadcast_in_dim3A_7 : vector<256x4096xi1>, vector<256x4096xf32>
    %get3A_8 = arith.constant 0 : index
    %get3A_9 = arith.constant 0 : index
    %get3A_10 = vector.load %arg2[%get3A_8, %get3A_9] : memref<4096x128xf32, #tpu.memory_space<vmem>>, vector<4096x128xf32>
    %dot_general3A = arith.constant dense<0.000000e+00> : vector<256x128xf32>
    %dot_general3A_11 = tpu.matmul %select_n3A, %get3A_10, %dot_general3A {dimension_numbers = #tpu.dot_dimension_numbers<[1], [0], [0], [1], [0, 0, 1, 1], [], []>, transpose_lhs_hint = false} : vector<256x4096xf32>, vector<4096x128xf32>, vector<256x128xf32> -> vector<256x128xf32>
    %swap3A = arith.constant 0 : index
    %swap3A_12 = arith.constant 0 : index
    %swap3A_13 = vector.load %arg3[%swap3A, %swap3A_12] : memref<256x128xf32, #tpu.memory_space<vmem>>, vector<256x128xf32>
    tpu.vector_store %arg3[%swap3A, %swap3A_12], %dot_general3A_11 {strides = array<i32>} : memref<256x128xf32, #tpu.memory_space<vmem>>, vector<256x128xf32>,
    return
  }
  func.func @transform_0(%arg0: i32) -> (i32, i32) {
    %c0_i32 = arith.constant 0 : i32
    %c0_i32_0 = arith.constant 0 : i32
    %c0_i32_1 = arith.constant 0 : i32
    return %c0_i32, %c0_i32_0 : i32, i32
  }
  func.func @transform_1(%arg0: i32) -> (i32, i32) {
    %c0_i32 = arith.constant 0 : i32
    %c0_i32_0 = arith.constant 0 : i32
    %c0_i32_1 = arith.constant 0 : i32
    return %c0_i32, %c0_i32_0 : i32, i32
  }
  func.func @transform_2(%arg0: i32) -> (i32, i32) {
    %c0_i32 = arith.constant 0 : i32
    %c0_i32_0 = arith.constant 0 : i32
    return %arg0, %c0_i32 : i32, i32
  }
}

module attributes {stable_mosaic.version = 14 : i64} {
  func.func @_ffn_body(%arg0: i32, %arg1: memref<32x2xi32, #tpu.memory_space<smem>>, %arg2: memref<256x384xi32, #tpu.memory_space<vmem>>, %arg3: memref<1x1x256xf32, #tpu.memory_space<vmem>>, %arg4: memref<1x768x3072xbf16, #tpu.memory_space<vmem>>, %arg5: memref<1x1x3072xf32, #tpu.memory_space<vmem>>, %arg6: memref<1x3072x768xbf16, #tpu.memory_space<vmem>>, %arg7: memref<1x1x768xf32, #tpu.memory_space<vmem>>, %arg8: memref<256x384xi32, #tpu.memory_space<vmem>>) attributes {dimension_semantics = [#tpu.dimension_semantics<arbitrary>], iteration_bounds = array<i64: 23>, scalar_prefetch = 1 : i64, scratch_operands = 0 : i64, tpu.core_type = #tpu.core_type<tc>, window_params = [{transform_indices = @transform_0, window_bounds = array<i64: 256, 384>}, {transform_indices = @transform_1, window_bounds = array<i64: 1, 1, 256>}, {transform_indices = @transform_2, window_bounds = array<i64: 1, 768, 3072>}, {transform_indices = @transform_3, window_bounds = array<i64: 1, 1, 3072>}, {transform_indices = @transform_4, window_bounds = array<i64: 1, 3072, 768>}, {transform_indices = @transform_5, window_bounds = array<i64: 1, 1, 768>}, {transform_indices = @transform_6, window_bounds = array<i64: 256, 384>}]} {
    %get3A = arith.index_cast %arg0 : i32 to index
    %get3A_0 = arith.constant 1 : index
    %get3A_1 = memref.load %arg1[%get3A, %get3A_0] : memref<32x2xi32, #tpu.memory_space<smem>>
    %eq3A = arith.constant 1 : i32
    %eq3A_2 = arith.cmpi eq, %get3A_1, %eq3A : i32
    %convert_element_type3A = arith.extui %eq3A_2 : i1 to i32
    %cond3A = arith.constant 0 : i32
    %cond3A_3 = arith.cmpi ne, %convert_element_type3A, %cond3A : i32
    scf.if %cond3A_3 {
      %get3A_4 = arith.constant 0 : index
      %get3A_5 = arith.constant 0 : index
      %get3A_6 = arith.constant 0 : index
      %get3A_7 = vector.load %arg3[%get3A_4, %get3A_5, %get3A_6] : memref<1x1x256xf32, #tpu.memory_space<vmem>>, vector<1x1x256xf32>
      %get3A_8 = vector.shape_cast %get3A_7 : vector<1x1x256xf32> to vector<256xf32>
      %broadcast_in_dim3A = vector.shape_cast %get3A_8 : vector<256xf32> to vector<256x1xf32>
      %get3A_9 = arith.constant 0 : index
      %get3A_10 = arith.constant 0 : index
      %get3A_11 = vector.load %arg2[%get3A_9, %get3A_10] : memref<256x384xi32, #tpu.memory_space<vmem>>, vector<256x384xi32>
      %bitcast_convert_type3A = tpu.bitcast %get3A_11 : vector<256x384xi32> -> vector<256x384xi32>
      %and3A = arith.constant 65535 : i32
      %and3A_12 = vector.broadcast %and3A : i32 to vector<256x384xi32>
      %and3A_13 = arith.andi %bitcast_convert_type3A, %and3A_12 : vector<256x384xi32>
      %convert_element_type3A_14 = arith.trunci %and3A_13 : vector<256x384xi32> to vector<256x384xi16>
      %bitcast_convert_type3A_15 = tpu.bitcast %convert_element_type3A_14 : vector<256x384xi16> -> vector<256x384xbf16>
      %shift_right_logical3A = arith.constant 16 : i32
      %shift_right_logical3A_16 = vector.broadcast %shift_right_logical3A : i32 to vector<256x384xi32>
      %shift_right_logical3A_17 = arith.shrui %bitcast_convert_type3A, %shift_right_logical3A_16 : vector<256x384xi32>
      %convert_element_type3A_18 = arith.trunci %shift_right_logical3A_17 : vector<256x384xi32> to vector<256x384xi16>
      %bitcast_convert_type3A_19 = tpu.bitcast %convert_element_type3A_18 : vector<256x384xi16> -> vector<256x384xbf16>
      %concatenate3A = tpu.concatenate %bitcast_convert_type3A_15, %bitcast_convert_type3A_19 in 1 : vector<256x384xbf16>, vector<256x384xbf16> -> vector<256x768xbf16>
      %get3A_20 = arith.constant 0 : index
      %get3A_21 = arith.constant 0 : index
      %get3A_22 = arith.constant 0 : index
      %get3A_23 = vector.load %arg4[%get3A_20, %get3A_21, %get3A_22] : memref<1x768x3072xbf16, #tpu.memory_space<vmem>>, vector<1x768x3072xbf16>
      %get3A_24 = vector.shape_cast %get3A_23 : vector<1x768x3072xbf16> to vector<768x3072xbf16>
      %dot_general3A = arith.constant dense<0.000000e+00> : vector<256x3072xf32>
      %dot_general3A_25 = tpu.matmul %concatenate3A, %get3A_24, %dot_general3A {dimension_numbers = #tpu.dot_dimension_numbers<[1], [0], [0], [1], [0, 0, 1, 1], [], []>, transpose_lhs_hint = false} : vector<256x768xbf16>, vector<768x3072xbf16>, vector<256x3072xf32> -> vector<256x3072xf32>
      %get3A_26 = arith.constant 0 : index
      %get3A_27 = arith.constant 0 : index
      %get3A_28 = arith.constant 0 : index
      %get3A_29 = vector.load %arg5[%get3A_26, %get3A_27, %get3A_28] : memref<1x1x3072xf32, #tpu.memory_space<vmem>>, vector<1x1x3072xf32>
      %get3A_30 = vector.shape_cast %get3A_29 : vector<1x1x3072xf32> to vector<1x3072xf32>
      %add3A = vector.broadcast %get3A_30 : vector<1x3072xf32> to vector<256x3072xf32>
      %add3A_31 = arith.addf %dot_general3A_25, %add3A : vector<256x3072xf32>
      %integer_pow3A = arith.mulf %add3A_31, %add3A_31 : vector<256x3072xf32>
      %integer_pow3A_32 = arith.mulf %add3A_31, %integer_pow3A : vector<256x3072xf32>
      %mul3A = arith.constant 4.471500e-02 : f32
      %mul3A_33 = vector.broadcast %mul3A : f32 to vector<256x3072xf32>
      %mul3A_34 = arith.mulf %mul3A_33, %integer_pow3A_32 : vector<256x3072xf32>
      %add3A_35 = arith.addf %add3A_31, %mul3A_34 : vector<256x3072xf32>
      %mul3A_36 = arith.constant 0.797884583 : f32
      %mul3A_37 = vector.broadcast %mul3A_36 : f32 to vector<256x3072xf32>
      %mul3A_38 = arith.mulf %mul3A_37, %add3A_35 : vector<256x3072xf32>
      %tanh3A = math.tanh %mul3A_38 : vector<256x3072xf32>
      %add3A_39 = arith.constant 1.000000e+00 : f32
      %add3A_40 = vector.broadcast %add3A_39 : f32 to vector<256x3072xf32>
      %add3A_41 = arith.addf %add3A_40, %tanh3A : vector<256x3072xf32>
      %mul3A_42 = arith.constant 5.000000e-01 : f32
      %mul3A_43 = vector.broadcast %mul3A_42 : f32 to vector<256x3072xf32>
      %mul3A_44 = arith.mulf %mul3A_43, %add3A_41 : vector<256x3072xf32>
      %mul3A_45 = arith.mulf %add3A_31, %mul3A_44 : vector<256x3072xf32>
      %convert_element_type3A_46 = arith.truncf %mul3A_45 : vector<256x3072xf32> to vector<256x3072xbf16>
      %get3A_47 = arith.constant 0 : index
      %get3A_48 = arith.constant 0 : index
      %get3A_49 = arith.constant 0 : index
      %get3A_50 = vector.load %arg6[%get3A_47, %get3A_48, %get3A_49] : memref<1x3072x768xbf16, #tpu.memory_space<vmem>>, vector<1x3072x768xbf16>
      %get3A_51 = vector.shape_cast %get3A_50 : vector<1x3072x768xbf16> to vector<3072x768xbf16>
      %dot_general3A_52 = arith.constant dense<0.000000e+00> : vector<256x768xf32>
      %dot_general3A_53 = tpu.matmul %convert_element_type3A_46, %get3A_51, %dot_general3A_52 {dimension_numbers = #tpu.dot_dimension_numbers<[1], [0], [0], [1], [0, 0, 1, 1], [], []>, transpose_lhs_hint = false} : vector<256x3072xbf16>, vector<3072x768xbf16>, vector<256x768xf32> -> vector<256x768xf32>
      %get3A_54 = arith.constant 0 : index
      %get3A_55 = arith.constant 0 : index
      %get3A_56 = arith.constant 0 : index
      %get3A_57 = vector.load %arg7[%get3A_54, %get3A_55, %get3A_56] : memref<1x1x768xf32, #tpu.memory_space<vmem>>, vector<1x1x768xf32>
      %get3A_58 = vector.shape_cast %get3A_57 : vector<1x1x768xf32> to vector<1x768xf32>
      %add3A_59 = vector.broadcast %get3A_58 : vector<1x768xf32> to vector<256x768xf32>
      %add3A_60 = arith.addf %dot_general3A_53, %add3A_59 : vector<256x768xf32>
      %mul3A_61 = vector.broadcast %broadcast_in_dim3A : vector<256x1xf32> to vector<256x768xf32>
      %mul3A_62 = arith.mulf %mul3A_61, %add3A_60 : vector<256x768xf32>
      %convert_element_type3A_63 = arith.truncf %mul3A_62 : vector<256x768xf32> to vector<256x768xbf16>
      %slice3A = vector.extract_strided_slice %convert_element_type3A_63 {offsets = [0, 0], sizes = [256, 384], strides = [1, 1]} : vector<256x768xbf16> to vector<256x384xbf16>
      %bitcast_convert_type3A_64 = tpu.bitcast %slice3A : vector<256x384xbf16> -> vector<256x384xi16>
      %convert_element_type3A_65 = arith.extui %bitcast_convert_type3A_64 : vector<256x384xi16> to vector<256x384xi32>
      %slice3A_66 = vector.extract_strided_slice %convert_element_type3A_63 {offsets = [0, 384], sizes = [256, 384], strides = [1, 1]} : vector<256x768xbf16> to vector<256x384xbf16>
      %bitcast_convert_type3A_67 = tpu.bitcast %slice3A_66 : vector<256x384xbf16> -> vector<256x384xi16>
      %convert_element_type3A_68 = arith.extui %bitcast_convert_type3A_67 : vector<256x384xi16> to vector<256x384xi32>
      %shift_left3A = arith.constant 16 : i32
      %shift_left3A_69 = vector.broadcast %shift_left3A : i32 to vector<256x384xi32>
      %shift_left3A_70 = arith.shli %convert_element_type3A_68, %shift_left3A_69 : vector<256x384xi32>
      %or3A = arith.ori %convert_element_type3A_65, %shift_left3A_70 : vector<256x384xi32>
      %bitcast_convert_type3A_71 = tpu.bitcast %or3A : vector<256x384xi32> -> vector<256x384xi32>
      %swap3A = arith.constant 0 : index
      %swap3A_72 = arith.constant 0 : index
      %swap3A_73 = vector.load %arg8[%swap3A, %swap3A_72] : memref<256x384xi32, #tpu.memory_space<vmem>>, vector<256x384xi32>
      tpu.vector_store %arg8[%swap3A, %swap3A_72], %bitcast_convert_type3A_71 {strides = array<i32>} : memref<256x384xi32, #tpu.memory_space<vmem>>, vector<256x384xi32>,
    } else {
    }
    return
  }
  func.func @transform_0(%arg0: i32, %arg1: memref<32x2xi32, #tpu.memory_space<smem>>) -> (i32, i32) {
    %c0_i32 = arith.constant 0 : i32
    %c0_i32_0 = arith.constant 0 : i32
    return %arg0, %c0_i32 : i32, i32
  }
  func.func @transform_1(%arg0: i32, %arg1: memref<32x2xi32, #tpu.memory_space<smem>>) -> (i32, i32, i32) {
    %c0_i32 = arith.constant 0 : i32
    %c0_i32_0 = arith.constant 0 : i32
    %c0_i32_1 = arith.constant 0 : i32
    return %arg0, %c0_i32, %c0_i32_0 : i32, i32, i32
  }
  func.func @transform_2(%arg0: i32, %arg1: memref<32x2xi32, #tpu.memory_space<smem>>) -> (i32, i32, i32) {
    %get3A = arith.index_cast %arg0 : i32 to index
    %get3A_0 = arith.constant 0 : index
    %get3A_1 = memref.load %arg1[%get3A, %get3A_0] : memref<32x2xi32, #tpu.memory_space<smem>>
    %c0_i32 = arith.constant 0 : i32
    %c0_i32_2 = arith.constant 0 : i32
    %c0_i32_3 = arith.constant 0 : i32
    return %get3A_1, %c0_i32, %c0_i32_2 : i32, i32, i32
  }
  func.func @transform_3(%arg0: i32, %arg1: memref<32x2xi32, #tpu.memory_space<smem>>) -> (i32, i32, i32) {
    %get3A = arith.index_cast %arg0 : i32 to index
    %get3A_0 = arith.constant 0 : index
    %get3A_1 = memref.load %arg1[%get3A, %get3A_0] : memref<32x2xi32, #tpu.memory_space<smem>>
    %c0_i32 = arith.constant 0 : i32
    %c0_i32_2 = arith.constant 0 : i32
    %c0_i32_3 = arith.constant 0 : i32
    return %get3A_1, %c0_i32, %c0_i32_2 : i32, i32, i32
  }
  func.func @transform_4(%arg0: i32, %arg1: memref<32x2xi32, #tpu.memory_space<smem>>) -> (i32, i32, i32) {
    %get3A = arith.index_cast %arg0 : i32 to index
    %get3A_0 = arith.constant 0 : index
    %get3A_1 = memref.load %arg1[%get3A, %get3A_0] : memref<32x2xi32, #tpu.memory_space<smem>>
    %c0_i32 = arith.constant 0 : i32
    %c0_i32_2 = arith.constant 0 : i32
    %c0_i32_3 = arith.constant 0 : i32
    return %get3A_1, %c0_i32, %c0_i32_2 : i32, i32, i32
  }
  func.func @transform_5(%arg0: i32, %arg1: memref<32x2xi32, #tpu.memory_space<smem>>) -> (i32, i32, i32) {
    %get3A = arith.index_cast %arg0 : i32 to index
    %get3A_0 = arith.constant 0 : index
    %get3A_1 = memref.load %arg1[%get3A, %get3A_0] : memref<32x2xi32, #tpu.memory_space<smem>>
    %c0_i32 = arith.constant 0 : i32
    %c0_i32_2 = arith.constant 0 : i32
    %c0_i32_3 = arith.constant 0 : i32
    return %get3A_1, %c0_i32, %c0_i32_2 : i32, i32, i32
  }
  func.func @transform_6(%arg0: i32, %arg1: memref<32x2xi32, #tpu.memory_space<smem>>) -> (i32, i32) {
    %c0_i32 = arith.constant 0 : i32
    %c0_i32_0 = arith.constant 0 : i32
    return %arg0, %c0_i32 : i32, i32
  }
}

module attributes {stable_mosaic.version = 14 : i64} {
  func.func @_combine_body(%arg0: i32, %arg1: memref<256x768xf32, #tpu.memory_space<vmem>>, %arg2: memref<256x384xi32, #tpu.memory_space<vmem>>, %arg3: memref<256x384xi32, #tpu.memory_space<vmem>>, %arg4: memref<256x768xf32, #tpu.memory_space<vmem>>) attributes {dimension_semantics = [#tpu.dimension_semantics<arbitrary>], iteration_bounds = array<i64: 8>, scalar_prefetch = 0 : i64, scratch_operands = 0 : i64, tpu.core_type = #tpu.core_type<tc>, window_params = [{transform_indices = @transform_0, window_bounds = array<i64: 256, 768>}, {transform_indices = @transform_1, window_bounds = array<i64: 256, 384>}, {transform_indices = @transform_2, window_bounds = array<i64: 256, 384>}, {transform_indices = @transform_3, window_bounds = array<i64: 256, 768>}]} {
    %get3A = arith.constant 0 : index
    %get3A_0 = arith.constant 0 : index
    %get3A_1 = vector.load %arg1[%get3A, %get3A_0] : memref<256x768xf32, #tpu.memory_space<vmem>>, vector<256x768xf32>
    %get3A_2 = arith.constant 0 : index
    %get3A_3 = arith.constant 0 : index
    %get3A_4 = vector.load %arg2[%get3A_2, %get3A_3] : memref<256x384xi32, #tpu.memory_space<vmem>>, vector<256x384xi32>
    %bitcast_convert_type3A = tpu.bitcast %get3A_4 : vector<256x384xi32> -> vector<256x384xi32>
    %and3A = arith.constant 65535 : i32
    %and3A_5 = vector.broadcast %and3A : i32 to vector<256x384xi32>
    %and3A_6 = arith.andi %bitcast_convert_type3A, %and3A_5 : vector<256x384xi32>
    %convert_element_type3A = arith.trunci %and3A_6 : vector<256x384xi32> to vector<256x384xi16>
    %bitcast_convert_type3A_7 = tpu.bitcast %convert_element_type3A : vector<256x384xi16> -> vector<256x384xbf16>
    %shift_right_logical3A = arith.constant 16 : i32
    %shift_right_logical3A_8 = vector.broadcast %shift_right_logical3A : i32 to vector<256x384xi32>
    %shift_right_logical3A_9 = arith.shrui %bitcast_convert_type3A, %shift_right_logical3A_8 : vector<256x384xi32>
    %convert_element_type3A_10 = arith.trunci %shift_right_logical3A_9 : vector<256x384xi32> to vector<256x384xi16>
    %bitcast_convert_type3A_11 = tpu.bitcast %convert_element_type3A_10 : vector<256x384xi16> -> vector<256x384xbf16>
    %concatenate3A = tpu.concatenate %bitcast_convert_type3A_7, %bitcast_convert_type3A_11 in 1 : vector<256x384xbf16>, vector<256x384xbf16> -> vector<256x768xbf16>
    %convert_element_type3A_12 = arith.extf %concatenate3A : vector<256x768xbf16> to vector<256x768xf32>
    %add3A = arith.addf %get3A_1, %convert_element_type3A_12 : vector<256x768xf32>
    %get3A_13 = arith.constant 0 : index
    %get3A_14 = arith.constant 0 : index
    %get3A_15 = vector.load %arg3[%get3A_13, %get3A_14] : memref<256x384xi32, #tpu.memory_space<vmem>>, vector<256x384xi32>
    %bitcast_convert_type3A_16 = tpu.bitcast %get3A_15 : vector<256x384xi32> -> vector<256x384xi32>
    %and3A_17 = arith.constant 65535 : i32
    %and3A_18 = vector.broadcast %and3A_17 : i32 to vector<256x384xi32>
    %and3A_19 = arith.andi %bitcast_convert_type3A_16, %and3A_18 : vector<256x384xi32>
    %convert_element_type3A_20 = arith.trunci %and3A_19 : vector<256x384xi32> to vector<256x384xi16>
    %bitcast_convert_type3A_21 = tpu.bitcast %convert_element_type3A_20 : vector<256x384xi16> -> vector<256x384xbf16>
    %shift_right_logical3A_22 = arith.constant 16 : i32
    %shift_right_logical3A_23 = vector.broadcast %shift_right_logical3A_22 : i32 to vector<256x384xi32>
    %shift_right_logical3A_24 = arith.shrui %bitcast_convert_type3A_16, %shift_right_logical3A_23 : vector<256x384xi32>
    %convert_element_type3A_25 = arith.trunci %shift_right_logical3A_24 : vector<256x384xi32> to vector<256x384xi16>
    %bitcast_convert_type3A_26 = tpu.bitcast %convert_element_type3A_25 : vector<256x384xi16> -> vector<256x384xbf16>
    %concatenate3A_27 = tpu.concatenate %bitcast_convert_type3A_21, %bitcast_convert_type3A_26 in 1 : vector<256x384xbf16>, vector<256x384xbf16> -> vector<256x768xbf16>
    %convert_element_type3A_28 = arith.extf %concatenate3A_27 : vector<256x768xbf16> to vector<256x768xf32>
    %add3A_29 = arith.addf %add3A, %convert_element_type3A_28 : vector<256x768xf32>
    %swap3A = arith.constant 0 : index
    %swap3A_30 = arith.constant 0 : index
    %swap3A_31 = vector.load %arg4[%swap3A, %swap3A_30] : memref<256x768xf32, #tpu.memory_space<vmem>>, vector<256x768xf32>
    tpu.vector_store %arg4[%swap3A, %swap3A_30], %add3A_29 {strides = array<i32>} : memref<256x768xf32, #tpu.memory_space<vmem>>, vector<256x768xf32>,
    return
  }
  func.func @transform_0(%arg0: i32) -> (i32, i32) {
    %c0_i32 = arith.constant 0 : i32
    %c0_i32_0 = arith.constant 0 : i32
    return %arg0, %c0_i32 : i32, i32
  }
  func.func @transform_1(%arg0: i32) -> (i32, i32) {
    %c0_i32 = arith.constant 0 : i32
    %c0_i32_0 = arith.constant 0 : i32
    return %arg0, %c0_i32 : i32, i32
  }
  func.func @transform_2(%arg0: i32) -> (i32, i32) {
    %add3A = arith.constant 8 : i32
    %add3A_0 = arith.addi %arg0, %add3A : i32
    %c0_i32 = arith.constant 0 : i32
    %c0_i32_1 = arith.constant 0 : i32
    return %add3A_0, %c0_i32 : i32, i32
  }
  func.func @transform_3(%arg0: i32) -> (i32, i32) {
    %c0_i32 = arith.constant 0 : i32
    %c0_i32_0 = arith.constant 0 : i32
    return %arg0, %c0_i32 : i32, i32
  }
}

</mosaic_0001>

<sc_bundles>
// kernel: _run.11.cloned.1.call-start
scs
__scs_entry_jumppad:
0x0: {  	(pc) =	sbr.rel $0x88, $3  }
0x1: {  	(tag) =	ssettag $0x0;
	lr =	simm.s32 $0x1  }
0x2: {  	[smem:$0x3F90] =	sst lr;
	_ =	strace $0xD0000000  }
0x3: {  	_ = 	snop  }
0x4: {  	_ = 	snop  }
0x5: {  	_ = 	snop  }
0x6: {  	_ = 	snop  }
0x7: {  	_ = 	snop  }
__scs_overlays_trampoline_lowered:
0x8: {  	[smem:$0x3F9F] =	sst s0  }
0x9: {  	[smem:$0x3FA0] =	sst s1  }
0xa: {  	[smem:$0x3FA1] =	sst s2  }
0xb: {  	[smem:$0x3FA2] =	sst s3  }
0xc: {  	[smem:$0x3FA3] =	sst s4  }
0xd: {  	[smem:$0x3FA4] =	sst s5  }
0xe: {  	[smem:$0x3FA5] =	sst s6  }
0xf: {  	[smem:$0x3FA6] =	sst s7  }
0x10: {  	[smem:$0x3FA7] =	sst s8  }
0x11: {  	[smem:$0x3FA8] =	sst s9;
	s0 =	simm.s32 @!p0 $0x0  }
0x12: {  	s1 =	sld [smem:$0x3F8E];
	s0 =	simm.s32 @p0 $0x1  }
0x13: {  	[smem:$0x3FA9] =	sst s0;
	s0 =	simm.s32 @!p1 $0x0  }
0x14: {  	s2 =	sld [smem:$0x3F8D];
	s0 =	simm.s32 @p1 $0x1  }
0x15: {  	[smem:$0x3FAA] =	sst s0;
	s0 =	simm.s32 @!p2 $0x0  }
0x16: {  	s3 =	sld [smem:$0x3FDB];
	s0 =	simm.s32 @p2 $0x1  }
0x17: {  	s4 =	simm.s32 $0x1BF5;
	[smem:$0x3FAC] =	sst s0  }
0x18: {  	s0 =	sld [smem:$0x3F8F];
	_ =	swait.ge [sflag:s4], $0x0  }
0x19: {  	s7 =	sld [smem:$0x3F90]  }
0x1a: {  	s8 =	sadd.s32 $0xFFFFE003, lr  }
0x1b: {  	s9 =	sadd.s32 $0xFFFFFEF7, lr;
	s5 =	simm.s32 $0xFFFFFFFF;
	p2 =	slt.u32 s8, $0xFFFFF086  }
0x1c: {  	p1 =	slt.u32 s9, $0xF7A;
	s5 =	simm.s32 @!p2 $0x0  }
0x1d: {  	s5 =	simm.s32 @p1 $0x1;
	p0 =	seq.s32 s7, s2  }
0x1e: {  	s7 =	smul.u32 @!p0 $0xF7A, s2;
	p2 =	seq.s32 @!p0 s5, $0x0  }
0x1f: {  	s9 =	smul.u32 $0xF7A, s1;
	s8 =	simm.s32 @!p0 $0x1BF5;
	p2 =	por !p2, p0  }
0x20: {  	[sflag:s8] =	ssyncset.s32 @!p0 $0xFFFFF086;
	s6 =	sadd.s32 @!p0 s3, s7;
	s7 =	simm.s32 @!p0 $0x108  }
0x21: {  	s3 =	sadd.s32 s3, s9;
	s6 =	sadd.s32 @!p0 $0x88, s6;
	s7 =	simm.s32 @p2 $0x1082  }
0x22: {  	[simem:s7], [sflag:s8] =	dma.local @!p0 [hbm:s6], $0xF7A  }
0x23: {  	s9 =	sor.u32 $0xD0000000, s2;
	s6 =	simm.s32 $0x108;
	_ =	swait.ge @!p0 [sflag:s8], $0x0  }
0x24: {  	s3 =	sadd.s32 $0x88, s3;
	s6 =	simm.s32 @!p1 $0x1082;
	[sflag:s4] =	ssyncset.s32 $0xFFFFF086  }
0x25: {  	[simem:s6], [sflag:s4] =	dma.local [hbm:s3], $0xF7A  }
0x26: {  	[smem:$0x3F90] =	sst s1;
	(tag) =	ssettag s2;
	_ =	strace s9  }
0x27: {  	s1 =	sld [smem:$0x3FA0]  }
0x28: {  	s2 =	sld [smem:$0x3FA1]  }
0x29: {  	s4 =	sld [smem:$0x3FA3]  }
0x2a: {  	p0 =	seq.s32 s5, $0x0;
	s5 =	sld [smem:$0x3FA4]  }
0x2b: {  	s6 =	sld [smem:$0x3FA5]  }
0x2c: {  	s7 =	sld [smem:$0x3FA6]  }
0x2d: {  	s3 =	simm.s32 $0x108;
	s8 =	sld [smem:$0x3FA7]  }
0x2e: {  	s3 =	simm.s32 @!p0 $0x1082;
	s9 =	sld [smem:$0x3FA8]  }
0x2f: {  	lr =	sadd.s32 s0, s3;
	s0 =	sld [smem:$0x3F9F]  }
0x30: {  	s3 =	sld [smem:$0x3FA2]  }
0x31: {  	[smem:$0x3FAB] =	sst s10  }
0x32: {  	s10 =	sld [smem:$0x3FA9];
	_ =	sdelay $0x3  }
0x33: {  	p0 =	seq.s32 s10, $0x1;
	s10 =	sld [smem:$0x3FAB];
	_ =	sdelay $0x3  }
0x34: {  	[smem:$0x3FAB] =	sst s10  }
0x35: {  	s10 =	sld [smem:$0x3FAA];
	_ =	sdelay $0x3  }
0x36: {  	p1 =	seq.s32 s10, $0x1;
	s10 =	sld [smem:$0x3FAB];
	_ =	sdelay $0x3  }
0x37: {  	[smem:$0x3FAB] =	sst s10  }
0x38: {  	s10 =	sld [smem:$0x3FAC]  }
0x39: {  	_ = 	snop;
	(pc) =	sbr.ind lr, $3  }
0x3a: {  	_ = 	snop  }
0x3b: {  	_ = 	snop  }
0x3c: {  	p2 =	seq.s32 s10, $0x1;
	s10 =	sld [smem:$0x3FAB]  }
0x3d: {  	_ =	shalt  }
0x3e: {  	_ =	shalt  }
0x3f: {  	_ =	shalt  }
0x40: {  	_ =	shalt  }
0x41: {  	_ =	shalt  }
0x42: {  	_ =	shalt  }
0x43: {  	_ =	shalt  }
0x44: {  	_ =	shalt  }
0x45: {  	_ =	shalt  }
0x46: {  	_ =	shalt  }
0x47: {  	_ =	shalt  }
0x48: {  	_ =	shalt  }
0x49: {  	_ =	shalt  }
0x4a: {  	_ =	shalt  }
0x4b: {  	_ =	shalt  }
0x4c: {  	_ =	shalt  }
0x4d: {  	_ =	shalt  }
0x4e: {  	_ =	shalt  }
0x4f: {  	_ =	shalt  }
0x50: {  	_ =	shalt  }
0x51: {  	_ =	shalt  }
0x52: {  	_ =	shalt  }
0x53: {  	_ =	shalt  }
0x54: {  	_ =	shalt  }
0x55: {  	_ =	shalt  }
0x56: {  	_ =	shalt  }
0x57: {  	_ =	shalt  }
0x58: {  	_ =	shalt  }
0x59: {  	_ =	shalt  }
0x5a: {  	_ =	shalt  }
0x5b: {  	_ =	shalt  }
0x5c: {  	_ =	shalt  }
0x5d: {  	_ =	shalt  }
0x5e: {  	_ =	shalt  }
0x5f: {  	_ =	shalt  }
0x60: {  	_ =	shalt  }
0x61: {  	_ =	shalt  }
0x62: {  	_ =	shalt  }
0x63: {  	_ =	shalt  }
0x64: {  	_ =	shalt  }
0x65: {  	_ =	shalt  }
0x66: {  	_ =	shalt  }
0x67: {  	_ =	shalt  }
0x68: {  	_ =	shalt  }
0x69: {  	_ =	shalt  }
0x6a: {  	_ =	shalt  }
0x6b: {  	_ =	shalt  }
0x6c: {  	_ =	shalt  }
0x6d: {  	_ =	shalt  }
0x6e: {  	_ =	shalt  }
0x6f: {  	_ =	shalt  }
0x70: {  	_ =	shalt  }
0x71: {  	_ =	shalt  }
0x72: {  	_ =	shalt  }
0x73: {  	_ =	shalt  }
0x74: {  	_ =	shalt  }
0x75: {  	_ =	shalt  }
0x76: {  	_ =	shalt  }
0x77: {  	_ =	shalt  }
0x78: {  	_ =	shalt  }
0x79: {  	_ =	shalt  }
0x7a: {  	_ =	shalt  }
0x7b: {  	_ =	shalt  }
0x7c: {  	_ =	shalt  }
0x7d: {  	_ =	shalt  }
0x7e: {  	_ =	shalt  }
0x7f: {  	_ =	shalt  }
0x80: {  	_ =	shalt  }
0x81: {  	_ =	shalt  }
0x82: {  	_ =	shalt  }
0x83: {  	_ =	shalt  }
0x84: {  	_ =	shalt  }
0x85: {  	_ =	shalt  }
0x86: {  	_ =	shalt  }
0x87: {  	_ =	shalt  }
.Lfunc_end0:
.L_simem_size_0:
called_computation_lowered:
.L_overlay_start_0:
0x88: {  	s2 =	sld [smem:$0x3FD9]  }
0x89: {  	s3 =	sld [smem:$0x3FFE];
	_ =	sdelay $0x1  }
0x8a: {  	s1 =	srdreg.scid  }
0x8b: {  	s0 =	sand.u32 $0x1, s1  }
0x8c: {  	s14 =	sshll.u32 s0, $0xA;
	s2 =	sadd.s32 s3, s2  }
0x8d: {  	s2 =	sadd.s32 s2, s14  }
0x8e: {  	[smem:$0x3FB7] =	sst s2  }
0x8f: {  	_ = 	snop  }
0x90: {  	s2 =	sld [smem:$0x3FD0];
	_ =	sdelay $0x2  }
0x91: {  	s15 =	simm.s32 $0xA;
	s4 =	simm.s32 $0x10  }
0x92: {  	[smem:s4], [sflag:s15] =	dma.local [hbm:s2], $0x1  }
0x93: {  	_ =	swait.eq [sflag:s15], $0x1  }
0x94: {  	[sflag:s15] =	ssyncset.done $0x0  }
0x95: {  	[sflag:s15] =	ssyncadd.s32 $0xFFFFFFFF  }
0x96: {  	s16 =	sld [smem:$0x10];
	(tm) =	ssettm $0x1  }
0x97: {  	s17 =	sld [smem:$0x3FFB];
	_ =	sdelay $0x3  }
0x98: {  	_ =	strace s17  }
0x99: {  	s3 =	sld [smem:$0x3FFC];
	_ =	sdelay $0x3  }
0x9a: {  	_ =	strace s3  }
0x9b: {  	s3 =	sld [smem:$0x3FFD];
	_ =	sdelay $0x3  }
0x9c: {  	_ =	strace s3  }
0x9d: {  	_ =	strace $0x8FFFFFFF  }
0x9e: {  	s18 =	sld [smem:$0x3FDB];
	_ =	sdelay $0x1  }
0x9f: {  	s19 =	simm.s32 $_scs_section_size  }
0xa0: {  	s5 =	simm.s32 $_size__tile_overlayer_lowered;
	s6 =	simm.s32 $_tile_overlayer_lowered  }
0xa1: {  	s22 =	simm.s32 $0x1BFF;
	s21 =	sshll.u32 s6, $0x1;
	s3 =	sadd.s32 s19, s18  }
0xa2: {  	s7 =	simm.s32 $0x0;
	s20 =	sshll.u32 s5, $0x1;
	s5 =	sadd.s32 s21, s3  }
0xa3: {  	[timem:s7], [sflag:s22] =	dma.local [hbm:s5], s20  }
0xa4: {  	_ =	swait.ge [sflag:s22], s20  }
0xa5: {  	s4 =	ssub.s32 $0x0, s20;
	[sflag:s22] =	ssyncset.done $0x0  }
0xa6: {  	[sflag:s22] =	ssyncadd.s32 s4;
	_ =	sdelay $0x1  }
0xa7: {  	s23 =	simm.s32 $0x1B8B  }
0xa8: {  	_ =	swait.ge [sflag:s23], $0x1  }
0xa9: {  	[sflag:s23] =	ssyncset.done $0x0  }
0xaa: {  	s25 =	simm.s32 $0x1B8E;
	s24 =	sld [smem:$0x3FFE];
	[sflag:s23] =	ssyncadd.s32 $0xFFFFFFFF  }
0xab: {  	s26 =	simm.s32 $execute0_lowered;
	[smem:$0x3FD2] =	sst s25  }
0xac: {  	s5 =	sshll.u32 s26, $0x1;
	_ =	strace $0x80000046;
	[dreg:$0x1] =	wrdreg $0xFFFFFFFF  }
0xad: {  	s28 =	simm.s32 $_size_execute0_lowered;
	s3 =	sadd.s32 s3, s5;
	[dreg:$0x0] =	wrdreg $0x0  }
0xae: {  	s5 =	sshll.u32 s28, $0x1;
	[dreg:$0x2] =	wrdreg s3  }
0xaf: {  	[dreg:$0x3] =	wrdreg s5  }
0xb0: {  	[dreg:$0x4] =	wrdreg $0xC0  }
0xb1: {  	_ =	task [dreg:s7], $0x5FFFF  }
0xb2: {  	[dreg:$0x1] =	wrdreg $0xFFFFFFFF  }
0xb3: {  	[dreg:$0x0] =	wrdreg $0x60  }
0xb4: {  	[dreg:$0x2] =	wrdreg s16  }
0xb5: {  	[dreg:$0x3] =	wrdreg s24  }
0xb6: {  	[dreg:$0x4] =	wrdreg $0x9  }
0xb7: {  	_ =	task.clear_ibuf [dreg:s7], $0x5FFFF;
	_ =	strace $0x90000046  }
0xb8: {  	s29 =	simm.s32 $0x9;
	_ =	strace $0x80000048  }
0xb9: {  	_ =	swait.ge [sflag:s29], $0x1  }
0xba: {  	[sflag:s29] =	ssyncadd.s32 $0xFFFFFFFF  }
0xbb: {  	_ =	strace $0x90000048  }
0xbc: {  	_ =	sfence  }
0xbd: {  	s30 =	sld [smem:$0x0];
	_ =	sdelay $0x2  }
0xbe: {  	s31 =	sshll.u32 s1, $0xD;
	s1 =	sshrl.u32 s1, $0x2  }
0xbf: {  	s3 =	sand.u32 $0x4000, s31;
	s1 =	sadd.s32 s1, s30  }
0xc0: {  	s0 =	sor.u32 s3, s0;
	s1 =	sshll.u32 s1, $0x11  }
0xc1: {  	s0 =	sor.u32 s1, s0  }
0xc2: {  	s0 =	sadd.s32 $0x8F2B, s0  }
0xc3: {  	[sflag:s0] =	ssyncadd.remote.s32 $0x1  }
0xc4: {  	_ =	sfence.sel $0xFFFF  }
0xc5: {  	[dreg:$0x0] =	wrdreg $0xFFFFFFFF;
	(pc) =	sbr.abs _section_cstart, $3  }
0xc6: {  	[dreg:$0x1] =	wrdreg $0xFFFFFFFF  }
0xc7: {  	_ =	task.clear_ibuf [dreg:s7], $0x2FFFF;
	_ =	strace $0x9FFFFFFF  }
0xc8: {  	(tm) =	ssettm $0x7FFFFFFF  }
0xc9: {  	_ =	shalt  }
tec
execute0_lowered:
.L_overlay_start_1:
0x0: {  	(tag) =	ssettag $0x1  }
0x1: {  	s1 =	srdreg.scid  }
0x2: {  	s0 =	stileid.u32;
	s4 =	rddreg [dreg:$0x1]  }
0x3: {  	s7 =	simm.s32 $0x80;
	s8 =	simm.s32 $0x880;
	s9 =	simm.s32 $0xC80  }
0x4: {  	s10 =	simm.s32 $0x1480;
	s11 =	simm.s32 $0x1880;
	s12 =	simm.s32 $0x2080  }
0x5: {  	s13 =	simm.s32 $0x2480;
	s14 =	simm.s32 $0x2C80;
	s15 =	simm.s32 $0x3080  }
0x6: {  	s16 =	simm.s32 $0x3880;
	s17 =	simm.s32 $0x3C80;
	s18 =	simm.s32 $0x4480  }
0x7: {  	s19 =	simm.s32 $0x4880;
	s20 =	simm.s32 $0x5080;
	s21 =	simm.s32 $0x5480  }
0x8: {  	s22 =	simm.s32 $0x5C80;
	s1 =	sand.u32 $0x1, s1;
	s2 =	sshll.u32 s0, $0x1  }
0x9: {  	s28 =	simm.s32 $0x7880;
	s29 =	simm.s32 $0x8080;
	s2 =	sor.u32 s1, s2  }
0xa: {  	s30 =	simm.s32 $0x8480;
	s1 =	ssub.s32 $0x2, s1;
	s3 =	smul.u32 $0xB8, s2  }
0xb: {  	s31 =	simm.s32 $0x8C80;
	s2 =	rddreg [dreg:$0x0];
	s25 =	sshrl.u32 s1, $0x1  }
0xc: {  	s1 =	ssub.s32 s1, s25;
	s5 =	sshrl.u32 s3, $0x3;
	s3 =	simm.s32 $0x0  }
0xd: {  	s6 =	smul.u32 $0x180, s5;
	[smem:$0x7FF] =	sst s3;
	s5 =	sadd.s32 s5, s4  }
0xe: {  	s25 =	simm.s32 $0x6C80;
	_ =	strace $0x80000047;
	s23 =	sadd.s32 $0xE00, s5  }
0xf: {  	s5 =	sadd.s32 $0xE0C, s5;
	s4 =	sadd.s32 s6, s4;
	[dreg:$0x3] =	wrdreg s23  }
0x10: {  	[dreg:$0x5] =	wrdreg s5;
	s5 =	smax.u32 s1, $0x1;
	s6 =	simm.s32 $0x2  }
0x11: {  	v2 =	vlaneseq.u32;
	s23 =	simm.s32 $0x6080;
	s1 =	simm.s32 $0x1;
	s24 =	sadd.s32 $0x1200, s4  }
0x12: {  	vm0 =	vmmov $0xffff;
	vm1 =	vmmov $0xff;
	v1 =	vshrl.u32 v2, $0x3;
	s26 =	sadd.s32 $0x2400, s4;
	s4 =	sadd.s32 $0x100, s2;
	[dreg:$0x4] =	wrdreg s24  }
0x13: {  	v0 =	vand.u32 $0x7, v2;
	v2 =	vor.u32 $0x8, v2;
	v1 =	vmul.u32 $0x8, v1;
	[dreg:$0x6] =	wrdreg s26;
	s24 =	simm.s32 $0x6880;
	s26 =	simm.s32 $0x7480  }
.LBB2_1:
0x14: {  	s0 =	rddreg [dreg:$0x3]  }
0x15: {  	[tilespmem:s3], [sflag:$0x2] =	stream.linear.gather [hbm4b:s0+s3], $0x60, $0x38;
	[tilespmem:$0x9080] =	vst v63  }
0x16: {  	_ =	swait.ge [sflag:s6], $0x60  }
0x17: {  	[sflag:s6] =	ssyncset.done $0x0  }
0x18: {  	[sflag:s6] =	ssyncadd.s32 $0xFFFFFFA0  }
0x19: {  	v3 =	vld [tilespmem:$0x0];
	_ =	sdelay $0x4  }
0x1a: {  	v4 =	vshrl.u32 v3, $0x3  }
0x1b: {  	v4 =	vmul.u32 $0x18, v4  }
0x1c: {  	v3 =	vand.u32 $0x7, v3  }
0x1d: {  	v3 =	vor.u32 v3, v4  }
0x1e: {  	v4 =	vperm.xlane v3, v0;
	_ =	sdelay $0x1  }
0x1f: {  	v4 =	vadd.s32 v1, v4;
	_ =	sdelay $0x1  }
0x20: {  	v3 =	vperm.xlane v3, v2;
	_ =	sdelay $0x1  }
0x21: {  	v3 =	vadd.s32 v1, v3  }
0x22: {  	[tilespmem:s7], [sflag:$0x1] =	stream.indirect_vreg.gather [hbm4b:s2+s3], $0x80, v4, vm0, $0xb8;
	[tilespmem:$0x9080] =	vst v63  }
0x23: {  	_ = 	snop  }
0x24: {  	[tilespmem:s8], [sflag:$0x1] =	stream.indirect_vreg.gather [hbm4b:s4+s3], $0x80, v4, vm1, $0xb8;
	[tilespmem:$0x9080] =	vst v63  }
0x25: {  	_ = 	snop  }
0x26: {  	[tilespmem:s9], [sflag:$0x1] =	stream.indirect_vreg.gather [hbm4b:s2+s3], $0x80, v3, vm0, $0xb8;
	[tilespmem:$0x9080] =	vst v63  }
0x27: {  	_ = 	snop  }
0x28: {  	[tilespmem:s10], [sflag:$0x1] =	stream.indirect_vreg.gather [hbm4b:s4+s3], $0x80, v3, vm1, $0xb8;
	[tilespmem:$0x9080] =	vst v63  }
0x29: {  	v3 =	vld [tilespmem:$0x10];
	_ =	sdelay $0x4  }
0x2a: {  	v53 =	vshrl.u32 v3, $0x3  }
0x2b: {  	v4 =	vmul.u32 $0x18, v53  }
0x2c: {  	v3 =	vand.u32 $0x7, v3  }
0x2d: {  	v3 =	vor.u32 v3, v4  }
0x2e: {  	v4 =	vperm.xlane v3, v0;
	_ =	sdelay $0x1  }
0x2f: {  	v4 =	vadd.s32 v1, v4;
	_ =	sdelay $0x1  }
0x30: {  	v3 =	vperm.xlane v3, v2;
	_ =	sdelay $0x1  }
0x31: {  	v3 =	vadd.s32 v1, v3  }
0x32: {  	[tilespmem:s11], [sflag:$0x1] =	stream.indirect_vreg.gather [hbm4b:s2+s3], $0x80, v4, vm0, $0xb8;
	[tilespmem:$0x9080] =	vst v63  }
0x33: {  	_ = 	snop  }
0x34: {  	[tilespmem:s12], [sflag:$0x1] =	stream.indirect_vreg.gather [hbm4b:s4+s3], $0x80, v4, vm1, $0xb8;
	[tilespmem:$0x9080] =	vst v63  }
0x35: {  	_ = 	snop  }
0x36: {  	[tilespmem:s13], [sflag:$0x1] =	stream.indirect_vreg.gather [hbm4b:s2+s3], $0x80, v3, vm0, $0xb8;
	[tilespmem:$0x9080] =	vst v63  }
0x37: {  	_ = 	snop  }
0x38: {  	[tilespmem:s14], [sflag:$0x1] =	stream.indirect_vreg.gather [hbm4b:s4+s3], $0x80, v3, vm1, $0xb8;
	[tilespmem:$0x9080] =	vst v63  }
0x39: {  	v3 =	vld [tilespmem:$0x20];
	_ =	sdelay $0x4  }
0x3a: {  	v54 =	vshrl.u32 v3, $0x3  }
0x3b: {  	v4 =	vmul.u32 $0x18, v54  }
0x3c: {  	v3 =	vand.u32 $0x7, v3  }
0x3d: {  	v3 =	vor.u32 v3, v4  }
0x3e: {  	v4 =	vperm.xlane v3, v0;
	_ =	sdelay $0x1  }
0x3f: {  	v4 =	vadd.s32 v1, v4;
	_ =	sdelay $0x1  }
0x40: {  	v3 =	vperm.xlane v3, v2;
	_ =	sdelay $0x1  }
0x41: {  	v3 =	vadd.s32 v1, v3  }
0x42: {  	[tilespmem:s15], [sflag:$0x1] =	stream.indirect_vreg.gather [hbm4b:s2+s3], $0x80, v4, vm0, $0xb8;
	[tilespmem:$0x9080] =	vst v63  }
0x43: {  	_ = 	snop  }
0x44: {  	[tilespmem:s16], [sflag:$0x1] =	stream.indirect_vreg.gather [hbm4b:s4+s3], $0x80, v4, vm1, $0xb8;
	[tilespmem:$0x9080] =	vst v63  }
0x45: {  	_ = 	snop  }
0x46: {  	[tilespmem:s17], [sflag:$0x1] =	stream.indirect_vreg.gather [hbm4b:s2+s3], $0x80, v3, vm0, $0xb8;
	[tilespmem:$0x9080] =	vst v63  }
0x47: {  	_ = 	snop  }
0x48: {  	[tilespmem:s18], [sflag:$0x1] =	stream.indirect_vreg.gather [hbm4b:s4+s3], $0x80, v3, vm1, $0xb8;
	[tilespmem:$0x9080] =	vst v63  }
0x49: {  	v3 =	vld [tilespmem:$0x30];
	_ =	sdelay $0x4  }
0x4a: {  	v55 =	vshrl.u32 v3, $0x3  }
0x4b: {  	v4 =	vmul.u32 $0x18, v55  }
0x4c: {  	v3 =	vand.u32 $0x7, v3  }
0x4d: {  	v3 =	vor.u32 v3, v4  }
0x4e: {  	v4 =	vperm.xlane v3, v0;
	_ =	sdelay $0x1  }
0x4f: {  	v4 =	vadd.s32 v1, v4;
	_ =	sdelay $0x1  }
0x50: {  	v3 =	vperm.xlane v3, v2;
	_ =	sdelay $0x1  }
0x51: {  	v3 =	vadd.s32 v1, v3  }
0x52: {  	[tilespmem:s19], [sflag:$0x1] =	stream.indirect_vreg.gather [hbm4b:s2+s3], $0x80, v4, vm0, $0xb8;
	[tilespmem:$0x9080] =	vst v63  }
0x53: {  	_ = 	snop  }
0x54: {  	[tilespmem:s20], [sflag:$0x1] =	stream.indirect_vreg.gather [hbm4b:s4+s3], $0x80, v4, vm1, $0xb8;
	[tilespmem:$0x9080] =	vst v63  }
0x55: {  	_ = 	snop  }
0x56: {  	[tilespmem:s21], [sflag:$0x1] =	stream.indirect_vreg.gather [hbm4b:s2+s3], $0x80, v3, vm0, $0xb8;
	[tilespmem:$0x9080] =	vst v63  }
0x57: {  	_ = 	snop  }
0x58: {  	[tilespmem:s22], [sflag:$0x1] =	stream.indirect_vreg.gather [hbm4b:s4+s3], $0x80, v3, vm1, $0xb8;
	[tilespmem:$0x9080] =	vst v63  }
0x59: {  	v3 =	vld [tilespmem:$0x40];
	_ =	sdelay $0x4  }
0x5a: {  	v56 =	vshrl.u32 v3, $0x3  }
0x5b: {  	v4 =	vmul.u32 $0x18, v56  }
0x5c: {  	v3 =	vand.u32 $0x7, v3  }
0x5d: {  	v3 =	vor.u32 v3, v4  }
0x5e: {  	v4 =	vperm.xlane v3, v0;
	_ =	sdelay $0x1  }
0x5f: {  	v4 =	vadd.s32 v1, v4;
	_ =	sdelay $0x1  }
0x60: {  	v3 =	vperm.xlane v3, v2;
	_ =	sdelay $0x1  }
0x61: {  	v3 =	vadd.s32 v1, v3  }
0x62: {  	[tilespmem:s23], [sflag:$0x1] =	stream.indirect_vreg.gather [hbm4b:s2+s3], $0x80, v4, vm0, $0xb8;
	[tilespmem:$0x9080] =	vst v63  }
0x63: {  	_ = 	snop  }
0x64: {  	[tilespmem:s24], [sflag:$0x1] =	stream.indirect_vreg.gather [hbm4b:s4+s3], $0x80, v4, vm1, $0xb8;
	[tilespmem:$0x9080] =	vst v63  }
0x65: {  	_ = 	snop  }
0x66: {  	[tilespmem:s25], [sflag:$0x1] =	stream.indirect_vreg.gather [hbm4b:s2+s3], $0x80, v3, vm0, $0xb8;
	[tilespmem:$0x9080] =	vst v63  }
0x67: {  	_ = 	snop  }
0x68: {  	[tilespmem:s26], [sflag:$0x1] =	stream.indirect_vreg.gather [hbm4b:s4+s3], $0x80, v3, vm1, $0xb8;
	[tilespmem:$0x9080] =	vst v63  }
0x69: {  	v3 =	vld [tilespmem:$0x50];
	_ =	sdelay $0x4  }
0x6a: {  	v57 =	vshrl.u32 v3, $0x3  }
0x6b: {  	v4 =	vmul.u32 $0x18, v57  }
0x6c: {  	v3 =	vand.u32 $0x7, v3  }
0x6d: {  	v3 =	vor.u32 v3, v4  }
0x6e: {  	v4 =	vperm.xlane v3, v0;
	_ =	sdelay $0x1  }
0x6f: {  	v4 =	vadd.s32 v1, v4;
	_ =	sdelay $0x1  }
0x70: {  	v3 =	vperm.xlane v3, v2;
	_ =	sdelay $0x1  }
0x71: {  	v3 =	vadd.s32 v1, v3  }
0x72: {  	[tilespmem:s28], [sflag:$0x1] =	stream.indirect_vreg.gather [hbm4b:s2+s3], $0x80, v4, vm0, $0xb8;
	[tilespmem:$0x9080] =	vst v63  }
0x73: {  	_ = 	snop  }
0x74: {  	[tilespmem:s29], [sflag:$0x1] =	stream.indirect_vreg.gather [hbm4b:s4+s3], $0x80, v4, vm1, $0xb8;
	[tilespmem:$0x9080] =	vst v63  }
0x75: {  	_ = 	snop  }
0x76: {  	[tilespmem:s30], [sflag:$0x1] =	stream.indirect_vreg.gather [hbm4b:s2+s3], $0x80, v3, vm0, $0xb8;
	[tilespmem:$0x9080] =	vst v63  }
0x77: {  	_ = 	snop  }
0x78: {  	[tilespmem:s31], [sflag:$0x1] =	stream.indirect_vreg.gather [hbm4b:s4+s3], $0x80, v3, vm1, $0xb8;
	[tilespmem:$0x9080] =	vst v63  }
0x79: {  	_ =	swait.ge [sflag:s1], $0x9000  }
0x7a: {  	[sflag:s1] =	ssyncset.done $0x0  }
0x7b: {  	s0 =	rddreg [dreg:$0x4];
	[sflag:s1] =	ssyncadd.s32 $0xFFFF7000  }
0x7c: {  	[hbm4b:s0+s3] =	stream.linear.scatter [tilespmem:s7], [sflag:$0x2], $0x9000, $0x38;
	[tilespmem:$0x9080] =	vst v63  }
0x7d: {  	_ =	swait.ge [sflag:s6], $0x9000  }
0x7e: {  	[sflag:s6] =	ssyncset.done $0x0  }
0x7f: {  	s0 =	rddreg [dreg:$0x5];
	[sflag:s6] =	ssyncadd.s32 $0xFFFF7000  }
0x80: {  	[tilespmem:s3], [sflag:$0x2] =	stream.linear.gather [hbm4b:s0+s3], $0x58, $0x38;
	[tilespmem:$0x9080] =	vst v63  }
0x81: {  	_ =	swait.ge [sflag:s6], $0x58  }
0x82: {  	[sflag:s6] =	ssyncset.done $0x0  }
0x83: {  	[sflag:s6] =	ssyncadd.s32 $0xFFFFFFA8  }
0x84: {  	v3 =	vld [tilespmem:$0x0];
	_ =	sdelay $0x4  }
0x85: {  	v58 =	vshrl.u32 v3, $0x3  }
0x86: {  	v4 =	vmul.u32 $0x18, v58  }
0x87: {  	v3 =	vand.u32 $0x7, v3  }
0x88: {  	v3 =	vor.u32 v3, v4  }
0x89: {  	v4 =	vperm.xlane v3, v0;
	_ =	sdelay $0x1  }
0x8a: {  	v4 =	vadd.s32 v1, v4;
	_ =	sdelay $0x1  }
0x8b: {  	v3 =	vperm.xlane v3, v2;
	_ =	sdelay $0x1  }
0x8c: {  	v3 =	vadd.s32 v1, v3  }
0x8d: {  	[tilespmem:s7], [sflag:$0x1] =	stream.indirect_vreg.gather [hbm4b:s2+s3], $0x80, v4, vm0, $0xb8;
	[tilespmem:$0x9080] =	vst v63  }
0x8e: {  	_ = 	snop  }
0x8f: {  	[tilespmem:s8], [sflag:$0x1] =	stream.indirect_vreg.gather [hbm4b:s4+s3], $0x80, v4, vm1, $0xb8;
	[tilespmem:$0x9080] =	vst v63  }
0x90: {  	_ = 	snop  }
0x91: {  	[tilespmem:s9], [sflag:$0x1] =	stream.indirect_vreg.gather [hbm4b:s2+s3], $0x80, v3, vm0, $0xb8;
	[tilespmem:$0x9080] =	vst v63  }
0x92: {  	_ = 	snop  }
0x93: {  	[tilespmem:s10], [sflag:$0x1] =	stream.indirect_vreg.gather [hbm4b:s4+s3], $0x80, v3, vm1, $0xb8;
	[tilespmem:$0x9080] =	vst v63  }
0x94: {  	v3 =	vld [tilespmem:$0x10];
	_ =	sdelay $0x4  }
0x95: {  	v59 =	vshrl.u32 v3, $0x3  }
0x96: {  	v4 =	vmul.u32 $0x18, v59  }
0x97: {  	v3 =	vand.u32 $0x7, v3  }
0x98: {  	v3 =	vor.u32 v3, v4  }
0x99: {  	v4 =	vperm.xlane v3, v0;
	_ =	sdelay $0x1  }
0x9a: {  	v4 =	vadd.s32 v1, v4;
	_ =	sdelay $0x1  }
0x9b: {  	v3 =	vperm.xlane v3, v2;
	_ =	sdelay $0x1  }
0x9c: {  	v3 =	vadd.s32 v1, v3  }
0x9d: {  	[tilespmem:s11], [sflag:$0x1] =	stream.indirect_vreg.gather [hbm4b:s2+s3], $0x80, v4, vm0, $0xb8;
	[tilespmem:$0x9080] =	vst v63  }
0x9e: {  	_ = 	snop  }
0x9f: {  	[tilespmem:s12], [sflag:$0x1] =	stream.indirect_vreg.gather [hbm4b:s4+s3], $0x80, v4, vm1, $0xb8;
	[tilespmem:$0x9080] =	vst v63  }
0xa0: {  	_ = 	snop  }
0xa1: {  	[tilespmem:s13], [sflag:$0x1] =	stream.indirect_vreg.gather [hbm4b:s2+s3], $0x80, v3, vm0, $0xb8;
	[tilespmem:$0x9080] =	vst v63  }
0xa2: {  	_ = 	snop  }
0xa3: {  	[tilespmem:s14], [sflag:$0x1] =	stream.indirect_vreg.gather [hbm4b:s4+s3], $0x80, v3, vm1, $0xb8;
	[tilespmem:$0x9080] =	vst v63  }
0xa4: {  	v3 =	vld [tilespmem:$0x20];
	_ =	sdelay $0x4  }
0xa5: {  	v60 =	vshrl.u32 v3, $0x3  }
0xa6: {  	v4 =	vmul.u32 $0x18, v60  }
0xa7: {  	v3 =	vand.u32 $0x7, v3  }
0xa8: {  	v3 =	vor.u32 v3, v4  }
0xa9: {  	v4 =	vperm.xlane v3, v0;
	_ =	sdelay $0x1  }
0xaa: {  	v4 =	vadd.s32 v1, v4;
	_ =	sdelay $0x1  }
0xab: {  	v3 =	vperm.xlane v3, v2;
	_ =	sdelay $0x1  }
0xac: {  	v3 =	vadd.s32 v1, v3  }
0xad: {  	[tilespmem:s15], [sflag:$0x1] =	stream.indirect_vreg.gather [hbm4b:s2+s3], $0x80, v4, vm0, $0xb8;
	[tilespmem:$0x9080] =	vst v63  }
0xae: {  	_ = 	snop  }
0xaf: {  	[tilespmem:s16], [sflag:$0x1] =	stream.indirect_vreg.gather [hbm4b:s4+s3], $0x80, v4, vm1, $0xb8;
	[tilespmem:$0x9080] =	vst v63  }
0xb0: {  	_ = 	snop  }
0xb1: {  	[tilespmem:s17], [sflag:$0x1] =	stream.indirect_vreg.gather [hbm4b:s2+s3], $0x80, v3, vm0, $0xb8;
	[tilespmem:$0x9080] =	vst v63  }
0xb2: {  	_ = 	snop  }
0xb3: {  	[tilespmem:s18], [sflag:$0x1] =	stream.indirect_vreg.gather [hbm4b:s4+s3], $0x80, v3, vm1, $0xb8;
	[tilespmem:$0x9080] =	vst v63  }
0xb4: {  	v3 =	vld [tilespmem:$0x30];
	_ =	sdelay $0x4  }
0xb5: {  	v61 =	vshrl.u32 v3, $0x3  }
0xb6: {  	v4 =	vmul.u32 $0x18, v61  }
0xb7: {  	v3 =	vand.u32 $0x7, v3  }
0xb8: {  	v3 =	vor.u32 v3, v4  }
0xb9: {  	v4 =	vperm.xlane v3, v0;
	_ =	sdelay $0x1  }
0xba: {  	v4 =	vadd.s32 v1, v4;
	_ =	sdelay $0x1  }
0xbb: {  	v3 =	vperm.xlane v3, v2;
	_ =	sdelay $0x1  }
0xbc: {  	v3 =	vadd.s32 v1, v3  }
0xbd: {  	[tilespmem:s19], [sflag:$0x1] =	stream.indirect_vreg.gather [hbm4b:s2+s3], $0x80, v4, vm0, $0xb8;
	[tilespmem:$0x9080] =	vst v63  }
0xbe: {  	_ = 	snop  }
0xbf: {  	[tilespmem:s20], [sflag:$0x1] =	stream.indirect_vreg.gather [hbm4b:s4+s3], $0x80, v4, vm1, $0xb8;
	[tilespmem:$0x9080] =	vst v63  }
0xc0: {  	_ = 	snop  }
0xc1: {  	[tilespmem:s21], [sflag:$0x1] =	stream.indirect_vreg.gather [hbm4b:s2+s3], $0x80, v3, vm0, $0xb8;
	[tilespmem:$0x9080] =	vst v63  }
0xc2: {  	_ = 	snop  }
0xc3: {  	[tilespmem:s22], [sflag:$0x1] =	stream.indirect_vreg.gather [hbm4b:s4+s3], $0x80, v3, vm1, $0xb8;
	[tilespmem:$0x9080] =	vst v63  }
0xc4: {  	v3 =	vld [tilespmem:$0x40];
	_ =	sdelay $0x4  }
0xc5: {  	v62 =	vshrl.u32 v3, $0x3  }
0xc6: {  	v4 =	vmul.u32 $0x18, v62  }
0xc7: {  	v3 =	vand.u32 $0x7, v3  }
0xc8: {  	v3 =	vor.u32 v3, v4  }
0xc9: {  	v4 =	vperm.xlane v3, v0;
	_ =	sdelay $0x1  }
0xca: {  	v4 =	vadd.s32 v1, v4;
	_ =	sdelay $0x1  }
0xcb: {  	v3 =	vperm.xlane v3, v2;
	_ =	sdelay $0x1  }
0xcc: {  	v3 =	vadd.s32 v1, v3  }
0xcd: {  	[tilespmem:s23], [sflag:$0x1] =	stream.indirect_vreg.gather [hbm4b:s2+s3], $0x80, v4, vm0, $0xb8;
	[tilespmem:$0x9080] =	vst v63  }
0xce: {  	_ = 	snop  }
0xcf: {  	[tilespmem:s24], [sflag:$0x1] =	stream.indirect_vreg.gather [hbm4b:s4+s3], $0x80, v4, vm1, $0xb8;
	[tilespmem:$0x9080] =	vst v63  }
0xd0: {  	_ = 	snop  }
0xd1: {  	[tilespmem:s25], [sflag:$0x1] =	stream.indirect_vreg.gather [hbm4b:s2+s3], $0x80, v3, vm0, $0xb8;
	[tilespmem:$0x9080] =	vst v63  }
0xd2: {  	_ = 	snop  }
0xd3: {  	[tilespmem:s26], [sflag:$0x1] =	stream.indirect_vreg.gather [hbm4b:s4+s3], $0x80, v3, vm1, $0xb8;
	[tilespmem:$0x9080] =	vst v63  }
0xd4: {  	v3 =	vld.msk [tilespmem:$0x50], $0xff;
	_ =	sdelay $0x4  }
0xd5: {  	v63 =	vshrl.u32 v3, $0x3  }
0xd6: {  	v4 =	vmul.u32 $0x18, v63  }
0xd7: {  	v3 =	vand.u32 $0x7, v3  }
0xd8: {  	v3 =	vor.u32 v3, v4  }
0xd9: {  	v3 =	vperm.xlane v3, v0;
	_ =	sdelay $0x1  }
0xda: {  	v3 =	vadd.s32 v1, v3;
	_ =	sdelay $0x4  }
0xdb: {  	[tilespmem:s28], [sflag:$0x1] =	stream.indirect_vreg.gather [hbm4b:s2+s3], $0x80, v3, vm0, $0xb8;
	[tilespmem:$0x9080] =	vst v63  }
0xdc: {  	_ = 	snop  }
0xdd: {  	[tilespmem:s29], [sflag:$0x1] =	stream.indirect_vreg.gather [hbm4b:s4+s3], $0x80, v3, vm1, $0xb8;
	[tilespmem:$0x9080] =	vst v63  }
0xde: {  	_ =	swait.ge [sflag:s1], $0x8400  }
0xdf: {  	p0 =	sne.s32 s5, $0x1;
	[sflag:s1] =	ssyncset.done $0x0  }
.Ltmp0:
0xe0: {  	s0 =	rddreg [dreg:$0x6];
	[sflag:s1] =	ssyncadd.s32 $0xFFFF7C00;
	(pc) =	sbr.rel @p0 .LBB2_1-.Ltmp0, $4  }
0xe1: {  	[hbm4b:s0+s3] =	stream.linear.scatter [tilespmem:s7], [sflag:$0x2], $0x8400, $0x38;
	[tilespmem:$0x9080] =	vst v63  }
0xe2: {  	_ =	swait.ge [sflag:s6], $0x8400  }
0xe3: {  	[sflag:s6] =	ssyncset.done $0x0  }
0xe4: {  	s5 =	sadd.s32 $0xFFFFFFFF, s5;
	[sflag:s6] =	ssyncadd.s32 $0xFFFF7C00  }
0xe5: {  	_ =	sfence.sel $0x180000  }
0xe6: {  	[bflag:$0x0] =	sbarrier.arrive $0xFFFF  }
0xe7: {  	_ =	strace $0x90000047  }
0xe8: {  	s0 =	stileid.u32;
	[bflag:$0x2] =	sbarrier.arrive $0xFFFF  }
0xe9: {  	p0 =	sne.s32 s0, $0x0;
	s0 =	rddreg [dreg:$0x2]  }
0xea: {  	s0 =	sadd.s32 @!p0 $0x100000, s0  }
0xeb: {  	[sflag:s0] =	ssyncadd.tile.s32 @!p0 $0x1;
	_ =	shalt  }
.Lfunc_end2:
_tile_overlayer_lowered:
.L_overlay_start_2:
0xec: {  	(tag) =	ssettag $0x2  }
0xed: {  	s0 =	rddreg [dreg:$0x0];
	s2 =	stileid.u32  }
0xee: {  	s1 =	rddreg [dreg:$0x1];
	p0 =	sne.s32 s2, $0x0  }
0xef: {  	s3 =	rddreg [dreg:$0x2];
	[bflag:$0x3] =	sbarrier.arrive $0xFFFF;
	s2 =	simm.s32 @!p0 $0x1C02  }
0xf0: {  	[timem:s3], [sflag:s2] =	dma.local @!p0 [hbm:s0], s1  }
0xf1: {  	s0 =	simm.s32 @!p0 $0x2  }
0xf2: {  	_ =	swait.ge @!p0 [sflag:s0], s1  }
0xf3: {  	s1 =	ssub.s32 @!p0 $0x0, s1;
	[sflag:s0] =	ssyncset.done @!p0 $0x0  }
0xf4: {  	[sflag:s0] =	ssyncadd.s32 @!p0 s1  }
0xf5: {  	[bflag:$0x3] =	sbarrier.arrive $0xFFFF  }
0xf6: {  	_ =	shalt  }

// kernel: _run.14.cloned.1.call-start
scs
__scs_entry_jumppad:
0x0: {  	(pc) =	sbr.rel $0x88, $3  }
0x1: {  	(tag) =	ssettag $0x0;
	lr =	simm.s32 $0x1  }
0x2: {  	[smem:$0x3F90] =	sst lr;
	_ =	strace $0xD0000000  }
0x3: {  	_ = 	snop  }
0x4: {  	_ = 	snop  }
0x5: {  	_ = 	snop  }
0x6: {  	_ = 	snop  }
0x7: {  	_ = 	snop  }
__scs_overlays_trampoline_lowered:
0x8: {  	[smem:$0x3F9F] =	sst s0  }
0x9: {  	[smem:$0x3FA0] =	sst s1  }
0xa: {  	[smem:$0x3FA1] =	sst s2  }
0xb: {  	[smem:$0x3FA2] =	sst s3  }
0xc: {  	[smem:$0x3FA3] =	sst s4  }
0xd: {  	[smem:$0x3FA4] =	sst s5  }
0xe: {  	[smem:$0x3FA5] =	sst s6  }
0xf: {  	[smem:$0x3FA6] =	sst s7  }
0x10: {  	[smem:$0x3FA7] =	sst s8  }
0x11: {  	[smem:$0x3FA8] =	sst s9;
	s0 =	simm.s32 @!p0 $0x0  }
0x12: {  	s1 =	sld [smem:$0x3F8E];
	s0 =	simm.s32 @p0 $0x1  }
0x13: {  	[smem:$0x3FA9] =	sst s0;
	s0 =	simm.s32 @!p1 $0x0  }
0x14: {  	s2 =	sld [smem:$0x3F8D];
	s0 =	simm.s32 @p1 $0x1  }
0x15: {  	[smem:$0x3FAA] =	sst s0;
	s0 =	simm.s32 @!p2 $0x0  }
0x16: {  	s3 =	sld [smem:$0x3FDB];
	s0 =	simm.s32 @p2 $0x1  }
0x17: {  	s4 =	simm.s32 $0x1BF5;
	[smem:$0x3FAC] =	sst s0  }
0x18: {  	s0 =	sld [smem:$0x3F8F];
	_ =	swait.ge [sflag:s4], $0x0  }
0x19: {  	s7 =	sld [smem:$0x3F90]  }
0x1a: {  	s8 =	sadd.s32 $0xFFFFE003, lr  }
0x1b: {  	s9 =	sadd.s32 $0xFFFFFEF7, lr;
	s5 =	simm.s32 $0xFFFFFFFF;
	p2 =	slt.u32 s8, $0xFFFFF086  }
0x1c: {  	p1 =	slt.u32 s9, $0xF7A;
	s5 =	simm.s32 @!p2 $0x0  }
0x1d: {  	s5 =	simm.s32 @p1 $0x1;
	p0 =	seq.s32 s7, s2  }
0x1e: {  	s7 =	smul.u32 @!p0 $0xF7A, s2;
	p2 =	seq.s32 @!p0 s5, $0x0  }
0x1f: {  	s9 =	smul.u32 $0xF7A, s1;
	s8 =	simm.s32 @!p0 $0x1BF5;
	p2 =	por !p2, p0  }
0x20: {  	[sflag:s8] =	ssyncset.s32 @!p0 $0xFFFFF086;
	s6 =	sadd.s32 @!p0 s3, s7;
	s7 =	simm.s32 @!p0 $0x108  }
0x21: {  	s3 =	sadd.s32 s3, s9;
	s6 =	sadd.s32 @!p0 $0x88, s6;
	s7 =	simm.s32 @p2 $0x1082  }
0x22: {  	[simem:s7], [sflag:s8] =	dma.local @!p0 [hbm:s6], $0xF7A  }
0x23: {  	s9 =	sor.u32 $0xD0000000, s2;
	s6 =	simm.s32 $0x108;
	_ =	swait.ge @!p0 [sflag:s8], $0x0  }
0x24: {  	s3 =	sadd.s32 $0x88, s3;
	s6 =	simm.s32 @!p1 $0x1082;
	[sflag:s4] =	ssyncset.s32 $0xFFFFF086  }
0x25: {  	[simem:s6], [sflag:s4] =	dma.local [hbm:s3], $0xF7A  }
0x26: {  	[smem:$0x3F90] =	sst s1;
	(tag) =	ssettag s2;
	_ =	strace s9  }
0x27: {  	s1 =	sld [smem:$0x3FA0]  }
0x28: {  	s2 =	sld [smem:$0x3FA1]  }
0x29: {  	s4 =	sld [smem:$0x3FA3]  }
0x2a: {  	p0 =	seq.s32 s5, $0x0;
	s5 =	sld [smem:$0x3FA4]  }
0x2b: {  	s6 =	sld [smem:$0x3FA5]  }
0x2c: {  	s7 =	sld [smem:$0x3FA6]  }
0x2d: {  	s3 =	simm.s32 $0x108;
	s8 =	sld [smem:$0x3FA7]  }
0x2e: {  	s3 =	simm.s32 @!p0 $0x1082;
	s9 =	sld [smem:$0x3FA8]  }
0x2f: {  	lr =	sadd.s32 s0, s3;
	s0 =	sld [smem:$0x3F9F]  }
0x30: {  	s3 =	sld [smem:$0x3FA2]  }
0x31: {  	[smem:$0x3FAB] =	sst s10  }
0x32: {  	s10 =	sld [smem:$0x3FA9];
	_ =	sdelay $0x3  }
0x33: {  	p0 =	seq.s32 s10, $0x1;
	s10 =	sld [smem:$0x3FAB];
	_ =	sdelay $0x3  }
0x34: {  	[smem:$0x3FAB] =	sst s10  }
0x35: {  	s10 =	sld [smem:$0x3FAA];
	_ =	sdelay $0x3  }
0x36: {  	p1 =	seq.s32 s10, $0x1;
	s10 =	sld [smem:$0x3FAB];
	_ =	sdelay $0x3  }
0x37: {  	[smem:$0x3FAB] =	sst s10  }
0x38: {  	s10 =	sld [smem:$0x3FAC]  }
0x39: {  	_ = 	snop;
	(pc) =	sbr.ind lr, $3  }
0x3a: {  	_ = 	snop  }
0x3b: {  	_ = 	snop  }
0x3c: {  	p2 =	seq.s32 s10, $0x1;
	s10 =	sld [smem:$0x3FAB]  }
0x3d: {  	_ =	shalt  }
0x3e: {  	_ =	shalt  }
0x3f: {  	_ =	shalt  }
0x40: {  	_ =	shalt  }
0x41: {  	_ =	shalt  }
0x42: {  	_ =	shalt  }
0x43: {  	_ =	shalt  }
0x44: {  	_ =	shalt  }
0x45: {  	_ =	shalt  }
0x46: {  	_ =	shalt  }
0x47: {  	_ =	shalt  }
0x48: {  	_ =	shalt  }
0x49: {  	_ =	shalt  }
0x4a: {  	_ =	shalt  }
0x4b: {  	_ =	shalt  }
0x4c: {  	_ =	shalt  }
0x4d: {  	_ =	shalt  }
0x4e: {  	_ =	shalt  }
0x4f: {  	_ =	shalt  }
0x50: {  	_ =	shalt  }
0x51: {  	_ =	shalt  }
0x52: {  	_ =	shalt  }
0x53: {  	_ =	shalt  }
0x54: {  	_ =	shalt  }
0x55: {  	_ =	shalt  }
0x56: {  	_ =	shalt  }
0x57: {  	_ =	shalt  }
0x58: {  	_ =	shalt  }
0x59: {  	_ =	shalt  }
0x5a: {  	_ =	shalt  }
0x5b: {  	_ =	shalt  }
0x5c: {  	_ =	shalt  }
0x5d: {  	_ =	shalt  }
0x5e: {  	_ =	shalt  }
0x5f: {  	_ =	shalt  }
0x60: {  	_ =	shalt  }
0x61: {  	_ =	shalt  }
0x62: {  	_ =	shalt  }
0x63: {  	_ =	shalt  }
0x64: {  	_ =	shalt  }
0x65: {  	_ =	shalt  }
0x66: {  	_ =	shalt  }
0x67: {  	_ =	shalt  }
0x68: {  	_ =	shalt  }
0x69: {  	_ =	shalt  }
0x6a: {  	_ =	shalt  }
0x6b: {  	_ =	shalt  }
0x6c: {  	_ =	shalt  }
0x6d: {  	_ =	shalt  }
0x6e: {  	_ =	shalt  }
0x6f: {  	_ =	shalt  }
0x70: {  	_ =	shalt  }
0x71: {  	_ =	shalt  }
0x72: {  	_ =	shalt  }
0x73: {  	_ =	shalt  }
0x74: {  	_ =	shalt  }
0x75: {  	_ =	shalt  }
0x76: {  	_ =	shalt  }
0x77: {  	_ =	shalt  }
0x78: {  	_ =	shalt  }
0x79: {  	_ =	shalt  }
0x7a: {  	_ =	shalt  }
0x7b: {  	_ =	shalt  }
0x7c: {  	_ =	shalt  }
0x7d: {  	_ =	shalt  }
0x7e: {  	_ =	shalt  }
0x7f: {  	_ =	shalt  }
0x80: {  	_ =	shalt  }
0x81: {  	_ =	shalt  }
0x82: {  	_ =	shalt  }
0x83: {  	_ =	shalt  }
0x84: {  	_ =	shalt  }
0x85: {  	_ =	shalt  }
0x86: {  	_ =	shalt  }
0x87: {  	_ =	shalt  }
.Lfunc_end0:
.L_simem_size_0:
called_computation.1_lowered:
.L_overlay_start_0:
0x88: {  	s2 =	sld [smem:$0x3FD9]  }
0x89: {  	s3 =	sld [smem:$0x3FFE];
	_ =	sdelay $0x1  }
0x8a: {  	s1 =	srdreg.scid  }
0x8b: {  	s0 =	sand.u32 $0x1, s1  }
0x8c: {  	s14 =	sshll.u32 s0, $0xA;
	s2 =	sadd.s32 s3, s2  }
0x8d: {  	s2 =	sadd.s32 s2, s14  }
0x8e: {  	[smem:$0x3FB7] =	sst s2  }
0x8f: {  	_ = 	snop  }
0x90: {  	s2 =	sld [smem:$0x3FD0];
	_ =	sdelay $0x2  }
0x91: {  	s15 =	simm.s32 $0xA;
	s4 =	simm.s32 $0x10  }
0x92: {  	[smem:s4], [sflag:s15] =	dma.local [hbm:s2], $0x1  }
0x93: {  	_ =	swait.eq [sflag:s15], $0x1  }
0x94: {  	[sflag:s15] =	ssyncset.done $0x0  }
0x95: {  	[sflag:s15] =	ssyncadd.s32 $0xFFFFFFFF  }
0x96: {  	s16 =	sld [smem:$0x10];
	(tm) =	ssettm $0x1  }
0x97: {  	s17 =	sld [smem:$0x3FFB];
	_ =	sdelay $0x3  }
0x98: {  	_ =	strace s17  }
0x99: {  	s3 =	sld [smem:$0x3FFC];
	_ =	sdelay $0x3  }
0x9a: {  	_ =	strace s3  }
0x9b: {  	s3 =	sld [smem:$0x3FFD];
	_ =	sdelay $0x3  }
0x9c: {  	_ =	strace s3  }
0x9d: {  	_ =	strace $0x8FFFFFFF  }
0x9e: {  	s18 =	sld [smem:$0x3FDB];
	_ =	sdelay $0x1  }
0x9f: {  	s19 =	simm.s32 $_scs_section_size  }
0xa0: {  	s5 =	simm.s32 $_size__tile_overlayer_lowered;
	s6 =	simm.s32 $_tile_overlayer_lowered  }
0xa1: {  	s22 =	simm.s32 $0x1BFF;
	s21 =	sshll.u32 s6, $0x1;
	s3 =	sadd.s32 s19, s18  }
0xa2: {  	s7 =	simm.s32 $0x0;
	s20 =	sshll.u32 s5, $0x1;
	s5 =	sadd.s32 s21, s3  }
0xa3: {  	[timem:s7], [sflag:s22] =	dma.local [hbm:s5], s20  }
0xa4: {  	_ =	swait.ge [sflag:s22], s20  }
0xa5: {  	s4 =	ssub.s32 $0x0, s20;
	[sflag:s22] =	ssyncset.done $0x0  }
0xa6: {  	[sflag:s22] =	ssyncadd.s32 s4;
	_ =	sdelay $0x1  }
0xa7: {  	s23 =	simm.s32 $0x1B8B  }
0xa8: {  	_ =	swait.ge [sflag:s23], $0x1  }
0xa9: {  	[sflag:s23] =	ssyncset.done $0x0  }
0xaa: {  	s25 =	simm.s32 $0x1B8E;
	s24 =	sld [smem:$0x3FFE];
	[sflag:s23] =	ssyncadd.s32 $0xFFFFFFFF  }
0xab: {  	s26 =	simm.s32 $execute0_lowered;
	[smem:$0x3FD2] =	sst s25  }
0xac: {  	s5 =	sshll.u32 s26, $0x1;
	_ =	strace $0x80000049;
	[dreg:$0x1] =	wrdreg $0xFFFFFFFF  }
0xad: {  	s28 =	simm.s32 $_size_execute0_lowered;
	s3 =	sadd.s32 s3, s5;
	[dreg:$0x0] =	wrdreg $0x0  }
0xae: {  	s5 =	sshll.u32 s28, $0x1;
	[dreg:$0x2] =	wrdreg s3  }
0xaf: {  	[dreg:$0x3] =	wrdreg s5  }
0xb0: {  	[dreg:$0x4] =	wrdreg $0xC0  }
0xb1: {  	_ =	task [dreg:s7], $0x5FFFF  }
0xb2: {  	[dreg:$0x1] =	wrdreg $0xFFFFFFFF  }
0xb3: {  	[dreg:$0x0] =	wrdreg $0x60  }
0xb4: {  	[dreg:$0x2] =	wrdreg s24  }
0xb5: {  	[dreg:$0x3] =	wrdreg s16  }
0xb6: {  	[dreg:$0x4] =	wrdreg $0x9  }
0xb7: {  	_ =	task.clear_ibuf [dreg:s7], $0x5FFFF;
	_ =	strace $0x90000049  }
0xb8: {  	s29 =	simm.s32 $0x9;
	_ =	strace $0x8000004B  }
0xb9: {  	_ =	swait.ge [sflag:s29], $0x1  }
0xba: {  	[sflag:s29] =	ssyncadd.s32 $0xFFFFFFFF  }
0xbb: {  	_ =	strace $0x9000004B  }
0xbc: {  	_ =	sfence  }
0xbd: {  	s30 =	sld [smem:$0x0];
	_ =	sdelay $0x2  }
0xbe: {  	s31 =	sshll.u32 s1, $0xD;
	s1 =	sshrl.u32 s1, $0x2  }
0xbf: {  	s3 =	sand.u32 $0x4000, s31;
	s1 =	sadd.s32 s1, s30  }
0xc0: {  	s0 =	sor.u32 s3, s0;
	s1 =	sshll.u32 s1, $0x11  }
0xc1: {  	s0 =	sor.u32 s1, s0  }
0xc2: {  	s0 =	sadd.s32 $0x8F2B, s0  }
0xc3: {  	[sflag:s0] =	ssyncadd.remote.s32 $0x1  }
0xc4: {  	_ =	sfence.sel $0xFFFF  }
0xc5: {  	[dreg:$0x0] =	wrdreg $0xFFFFFFFF;
	(pc) =	sbr.abs _section_cstart, $3  }
0xc6: {  	[dreg:$0x1] =	wrdreg $0xFFFFFFFF  }
0xc7: {  	_ =	task.clear_ibuf [dreg:s7], $0x2FFFF;
	_ =	strace $0x9FFFFFFF  }
0xc8: {  	(tm) =	ssettm $0x7FFFFFFF  }
0xc9: {  	_ =	shalt  }
tec
execute0_lowered:
.L_overlay_start_1:
0x0: {  	(tag) =	ssettag $0x1  }
0x1: {  	s1 =	srdreg.scid;
	s4 =	rddreg [dreg:$0x0]  }
0x2: {  	s0 =	stileid.u32;
	s3 =	rddreg [dreg:$0x1]  }
0x3: {  	s2 =	simm.s32 $0x0;
	s18 =	simm.s32 $0x880;
	s19 =	simm.s32 $0xC80  }
0x4: {  	s20 =	simm.s32 $0x1480;
	s21 =	simm.s32 $0x1880;
	s23 =	simm.s32 $0x2080  }
0x5: {  	s24 =	simm.s32 $0x2480;
	s25 =	simm.s32 $0x2C80;
	s26 =	simm.s32 $0x3080  }
0x6: {  	s7 =	simm.s32 $0x80;
	s9 =	simm.s32 $0x3C80;
	s10 =	simm.s32 $0x4480  }
0x7: {  	s11 =	simm.s32 $0x4880;
	s12 =	simm.s32 $0x5080;
	[smem:$0x7FF] =	sst s2  }
0x8: {  	s13 =	simm.s32 $0x5480;
	_ =	strace $0x8000004A;
	[dreg:$0x5] =	wrdreg s18  }
0x9: {  	s14 =	simm.s32 $0x5C80;
	s15 =	simm.s32 $0x6080;
	[dreg:$0x6] =	wrdreg s19  }
0xa: {  	s16 =	simm.s32 $0x6880;
	s17 =	simm.s32 $0x6C80;
	[dreg:$0x7] =	wrdreg s20  }
0xb: {  	s28 =	simm.s32 $0xA880;
	s29 =	simm.s32 $0xB080;
	[dreg:$0x8] =	wrdreg s21  }
0xc: {  	s30 =	simm.s32 $0xB480;
	s31 =	simm.s32 $0xBC80;
	[dreg:$0x9] =	wrdreg s23  }
0xd: {  	s1 =	sand.u32 $0x1, s1;
	s5 =	sshll.u32 s0, $0x5;
	[dreg:$0xa] =	wrdreg s24  }
0xe: {  	s6 =	sshll.u32 s1, $0x4;
	s1 =	ssub.s32 $0x2, s1;
	[dreg:$0xb] =	wrdreg s25  }
0xf: {  	[dreg:$0xc] =	wrdreg s26;
	s18 =	simm.s32 $0x7480;
	s19 =	simm.s32 $0x7880  }
0x10: {  	s20 =	simm.s32 $0x8080;
	s21 =	simm.s32 $0x8480;
	s23 =	simm.s32 $0x9080  }
0x11: {  	s24 =	simm.s32 $0x9880;
	s25 =	simm.s32 $0x9C80;
	s5 =	sor.u32 s6, s5  }
0x12: {  	s22 =	sshrl.u32 s1, $0x1;
	s6 =	sadd.s32 s5, s4;
	s5 =	smul.u32 $0x180, s5  }
0x13: {  	s26 =	simm.s32 $0xA480;
	s1 =	ssub.s32 s1, s22;
	s6 =	sadd.s32 $0x286200, s6  }
0x14: {  	v2 =	vlaneseq.u32;
	s22 =	simm.s32 $0x8C80;
	[dreg:$0x3] =	wrdreg s6;
	s3 =	sadd.s32 s3, s5  }
0x15: {  	vm0 =	vmmov $0xffff;
	vm1 =	vmmov $0xff;
	v1 =	vshrl.u32 v2, $0x3;
	s5 =	smax.u32 s1, $0x1;
	s6 =	simm.s32 $0x2;
	s1 =	simm.s32 $0x1  }
0x16: {  	v0 =	vand.u32 $0x7, v2;
	v2 =	vor.u32 $0x8, v2;
	v1 =	vmul.u32 $0x8, v1;
	[dreg:$0x4] =	wrdreg s3;
	s3 =	sadd.s32 $0xE00, s4;
	s4 =	sadd.s32 $0xF00, s4  }
.LBB2_1:
0x17: {  	s0 =	rddreg [dreg:$0x3]  }
0x18: {  	[tilespmem:s2], [sflag:$0x2] =	stream.linear.gather [hbm4b:s0+s2], $0x80, $0x38;
	[tilespmem:$0xC080] =	vst v63  }
0x19: {  	_ =	swait.ge [sflag:s6], $0x80  }
0x1a: {  	[sflag:s6] =	ssyncset.done $0x0  }
0x1b: {  	[sflag:s6] =	ssyncadd.s32 $0xFFFFFF80  }
0x1c: {  	v3 =	vld [tilespmem:$0x0];
	_ =	sdelay $0x4  }
0x1d: {  	v4 =	vshrl.u32 v3, $0x3  }
0x1e: {  	v4 =	vmul.u32 $0x18, v4  }
0x1f: {  	v3 =	vand.u32 $0x7, v3  }
0x20: {  	v3 =	vor.u32 v3, v4  }
0x21: {  	v4 =	vperm.xlane v3, v0;
	_ =	sdelay $0x1  }
0x22: {  	v4 =	vadd.s32 v1, v4;
	_ =	sdelay $0x1  }
0x23: {  	v3 =	vperm.xlane v3, v2;
	_ =	sdelay $0x1  }
0x24: {  	v3 =	vadd.s32 v1, v3  }
0x25: {  	[tilespmem:s7], [sflag:$0x1] =	stream.indirect_vreg.gather [hbm4b:s3+s2], $0x80, v4, vm0, $0xb8;
	[tilespmem:$0xC080] =	vst v63  }
0x26: {  	s0 =	rddreg [dreg:$0x5]  }
0x27: {  	[tilespmem:s0], [sflag:$0x1] =	stream.indirect_vreg.gather [hbm4b:s4+s2], $0x80, v4, vm1, $0xb8;
	[tilespmem:$0xC080] =	vst v63  }
0x28: {  	s8 =	rddreg [dreg:$0x6]  }
0x29: {  	[tilespmem:s8], [sflag:$0x1] =	stream.indirect_vreg.gather [hbm4b:s3+s2], $0x80, v3, vm0, $0xb8;
	[tilespmem:$0xC080] =	vst v63  }
0x2a: {  	s0 =	rddreg [dreg:$0x7]  }
0x2b: {  	[tilespmem:s0], [sflag:$0x1] =	stream.indirect_vreg.gather [hbm4b:s4+s2], $0x80, v3, vm1, $0xb8;
	[tilespmem:$0xC080] =	vst v63  }
0x2c: {  	v3 =	vld [tilespmem:$0x10];
	_ =	sdelay $0x4  }
0x2d: {  	v57 =	vshrl.u32 v3, $0x3  }
0x2e: {  	v4 =	vmul.u32 $0x18, v57  }
0x2f: {  	v3 =	vand.u32 $0x7, v3  }
0x30: {  	v3 =	vor.u32 v3, v4  }
0x31: {  	v4 =	vperm.xlane v3, v0;
	_ =	sdelay $0x1  }
0x32: {  	v4 =	vadd.s32 v1, v4;
	_ =	sdelay $0x1  }
0x33: {  	v3 =	vperm.xlane v3, v2;
	_ =	sdelay $0x1  }
0x34: {  	s0 =	rddreg [dreg:$0x8];
	v3 =	vadd.s32 v1, v3  }
0x35: {  	[tilespmem:s0], [sflag:$0x1] =	stream.indirect_vreg.gather [hbm4b:s3+s2], $0x80, v4, vm0, $0xb8;
	[tilespmem:$0xC080] =	vst v63  }
0x36: {  	s8 =	rddreg [dreg:$0x9]  }
0x37: {  	[tilespmem:s8], [sflag:$0x1] =	stream.indirect_vreg.gather [hbm4b:s4+s2], $0x80, v4, vm1, $0xb8;
	[tilespmem:$0xC080] =	vst v63  }
0x38: {  	s0 =	rddreg [dreg:$0xa]  }
0x39: {  	[tilespmem:s0], [sflag:$0x1] =	stream.indirect_vreg.gather [hbm4b:s3+s2], $0x80, v3, vm0, $0xb8;
	[tilespmem:$0xC080] =	vst v63  }
0x3a: {  	s8 =	rddreg [dreg:$0xb]  }
0x3b: {  	[tilespmem:s8], [sflag:$0x1] =	stream.indirect_vreg.gather [hbm4b:s4+s2], $0x80, v3, vm1, $0xb8;
	[tilespmem:$0xC080] =	vst v63  }
0x3c: {  	v3 =	vld [tilespmem:$0x20];
	_ =	sdelay $0x4  }
0x3d: {  	v58 =	vshrl.u32 v3, $0x3  }
0x3e: {  	v4 =	vmul.u32 $0x18, v58  }
0x3f: {  	v3 =	vand.u32 $0x7, v3  }
0x40: {  	v3 =	vor.u32 v3, v4  }
0x41: {  	v4 =	vperm.xlane v3, v0;
	_ =	sdelay $0x1  }
0x42: {  	v4 =	vadd.s32 v1, v4;
	_ =	sdelay $0x1  }
0x43: {  	v3 =	vperm.xlane v3, v2;
	_ =	sdelay $0x1  }
0x44: {  	s8 =	rddreg [dreg:$0xc];
	v3 =	vadd.s32 v1, v3  }
0x45: {  	[tilespmem:s8], [sflag:$0x1] =	stream.indirect_vreg.gather [hbm4b:s3+s2], $0x80, v4, vm0, $0xb8;
	[tilespmem:$0xC080] =	vst v63  }
0x46: {  	s8 =	simm.s32 $0x3880  }
0x47: {  	[tilespmem:s8], [sflag:$0x1] =	stream.indirect_vreg.gather [hbm4b:s4+s2], $0x80, v4, vm1, $0xb8;
	[tilespmem:$0xC080] =	vst v63  }
0x48: {  	_ = 	snop  }
0x49: {  	[tilespmem:s9], [sflag:$0x1] =	stream.indirect_vreg.gather [hbm4b:s3+s2], $0x80, v3, vm0, $0xb8;
	[tilespmem:$0xC080] =	vst v63  }
0x4a: {  	_ = 	snop  }
0x4b: {  	[tilespmem:s10], [sflag:$0x1] =	stream.indirect_vreg.gather [hbm4b:s4+s2], $0x80, v3, vm1, $0xb8;
	[tilespmem:$0xC080] =	vst v63  }
0x4c: {  	v3 =	vld [tilespmem:$0x30];
	_ =	sdelay $0x4  }
0x4d: {  	v59 =	vshrl.u32 v3, $0x3  }
0x4e: {  	v4 =	vmul.u32 $0x18, v59  }
0x4f: {  	v3 =	vand.u32 $0x7, v3  }
0x50: {  	v3 =	vor.u32 v3, v4  }
0x51: {  	v4 =	vperm.xlane v3, v0;
	_ =	sdelay $0x1  }
0x52: {  	v4 =	vadd.s32 v1, v4;
	_ =	sdelay $0x1  }
0x53: {  	v3 =	vperm.xlane v3, v2;
	_ =	sdelay $0x1  }
0x54: {  	v3 =	vadd.s32 v1, v3  }
0x55: {  	[tilespmem:s11], [sflag:$0x1] =	stream.indirect_vreg.gather [hbm4b:s3+s2], $0x80, v4, vm0, $0xb8;
	[tilespmem:$0xC080] =	vst v63  }
0x56: {  	_ = 	snop  }
0x57: {  	[tilespmem:s12], [sflag:$0x1] =	stream.indirect_vreg.gather [hbm4b:s4+s2], $0x80, v4, vm1, $0xb8;
	[tilespmem:$0xC080] =	vst v63  }
0x58: {  	_ = 	snop  }
0x59: {  	[tilespmem:s13], [sflag:$0x1] =	stream.indirect_vreg.gather [hbm4b:s3+s2], $0x80, v3, vm0, $0xb8;
	[tilespmem:$0xC080] =	vst v63  }
0x5a: {  	_ = 	snop  }
0x5b: {  	[tilespmem:s14], [sflag:$0x1] =	stream.indirect_vreg.gather [hbm4b:s4+s2], $0x80, v3, vm1, $0xb8;
	[tilespmem:$0xC080] =	vst v63  }
0x5c: {  	v3 =	vld [tilespmem:$0x40];
	_ =	sdelay $0x4  }
0x5d: {  	v60 =	vshrl.u32 v3, $0x3  }
0x5e: {  	v4 =	vmul.u32 $0x18, v60  }
0x5f: {  	v3 =	vand.u32 $0x7, v3  }
0x60: {  	v3 =	vor.u32 v3, v4  }
0x61: {  	v4 =	vperm.xlane v3, v0;
	_ =	sdelay $0x1  }
0x62: {  	v4 =	vadd.s32 v1, v4;
	_ =	sdelay $0x1  }
0x63: {  	v3 =	vperm.xlane v3, v2;
	_ =	sdelay $0x1  }
0x64: {  	v3 =	vadd.s32 v1, v3  }
0x65: {  	[tilespmem:s15], [sflag:$0x1] =	stream.indirect_vreg.gather [hbm4b:s3+s2], $0x80, v4, vm0, $0xb8;
	[tilespmem:$0xC080] =	vst v63  }
0x66: {  	_ = 	snop  }
0x67: {  	[tilespmem:s16], [sflag:$0x1] =	stream.indirect_vreg.gather [hbm4b:s4+s2], $0x80, v4, vm1, $0xb8;
	[tilespmem:$0xC080] =	vst v63  }
0x68: {  	_ = 	snop  }
0x69: {  	[tilespmem:s17], [sflag:$0x1] =	stream.indirect_vreg.gather [hbm4b:s3+s2], $0x80, v3, vm0, $0xb8;
	[tilespmem:$0xC080] =	vst v63  }
0x6a: {  	_ = 	snop  }
0x6b: {  	[tilespmem:s18], [sflag:$0x1] =	stream.indirect_vreg.gather [hbm4b:s4+s2], $0x80, v3, vm1, $0xb8;
	[tilespmem:$0xC080] =	vst v63  }
0x6c: {  	v3 =	vld [tilespmem:$0x50];
	_ =	sdelay $0x4  }
0x6d: {  	v61 =	vshrl.u32 v3, $0x3  }
0x6e: {  	v4 =	vmul.u32 $0x18, v61  }
0x6f: {  	v3 =	vand.u32 $0x7, v3  }
0x70: {  	v3 =	vor.u32 v3, v4  }
0x71: {  	v4 =	vperm.xlane v3, v0;
	_ =	sdelay $0x1  }
0x72: {  	v4 =	vadd.s32 v1, v4;
	_ =	sdelay $0x1  }
0x73: {  	v3 =	vperm.xlane v3, v2;
	_ =	sdelay $0x1  }
0x74: {  	v3 =	vadd.s32 v1, v3  }
0x75: {  	[tilespmem:s19], [sflag:$0x1] =	stream.indirect_vreg.gather [hbm4b:s3+s2], $0x80, v4, vm0, $0xb8;
	[tilespmem:$0xC080] =	vst v63  }
0x76: {  	_ = 	snop  }
0x77: {  	[tilespmem:s20], [sflag:$0x1] =	stream.indirect_vreg.gather [hbm4b:s4+s2], $0x80, v4, vm1, $0xb8;
	[tilespmem:$0xC080] =	vst v63  }
0x78: {  	_ = 	snop  }
0x79: {  	[tilespmem:s21], [sflag:$0x1] =	stream.indirect_vreg.gather [hbm4b:s3+s2], $0x80, v3, vm0, $0xb8;
	[tilespmem:$0xC080] =	vst v63  }
0x7a: {  	_ = 	snop  }
0x7b: {  	[tilespmem:s22], [sflag:$0x1] =	stream.indirect_vreg.gather [hbm4b:s4+s2], $0x80, v3, vm1, $0xb8;
	[tilespmem:$0xC080] =	vst v63  }
0x7c: {  	v3 =	vld [tilespmem:$0x60];
	_ =	sdelay $0x4  }
0x7d: {  	v62 =	vshrl.u32 v3, $0x3  }
0x7e: {  	v4 =	vmul.u32 $0x18, v62  }
0x7f: {  	v3 =	vand.u32 $0x7, v3  }
0x80: {  	v3 =	vor.u32 v3, v4  }
0x81: {  	v4 =	vperm.xlane v3, v0;
	_ =	sdelay $0x1  }
0x82: {  	v4 =	vadd.s32 v1, v4;
	_ =	sdelay $0x1  }
0x83: {  	v3 =	vperm.xlane v3, v2;
	_ =	sdelay $0x1  }
0x84: {  	v3 =	vadd.s32 v1, v3  }
0x85: {  	[tilespmem:s23], [sflag:$0x1] =	stream.indirect_vreg.gather [hbm4b:s3+s2], $0x80, v4, vm0, $0xb8;
	[tilespmem:$0xC080] =	vst v63  }
0x86: {  	_ = 	snop  }
0x87: {  	[tilespmem:s24], [sflag:$0x1] =	stream.indirect_vreg.gather [hbm4b:s4+s2], $0x80, v4, vm1, $0xb8;
	[tilespmem:$0xC080] =	vst v63  }
0x88: {  	_ = 	snop  }
0x89: {  	[tilespmem:s25], [sflag:$0x1] =	stream.indirect_vreg.gather [hbm4b:s3+s2], $0x80, v3, vm0, $0xb8;
	[tilespmem:$0xC080] =	vst v63  }
0x8a: {  	_ = 	snop  }
0x8b: {  	[tilespmem:s26], [sflag:$0x1] =	stream.indirect_vreg.gather [hbm4b:s4+s2], $0x80, v3, vm1, $0xb8;
	[tilespmem:$0xC080] =	vst v63  }
0x8c: {  	v3 =	vld [tilespmem:$0x70];
	_ =	sdelay $0x4  }
0x8d: {  	v63 =	vshrl.u32 v3, $0x3  }
0x8e: {  	v4 =	vmul.u32 $0x18, v63  }
0x8f: {  	v3 =	vand.u32 $0x7, v3  }
0x90: {  	v3 =	vor.u32 v3, v4  }
0x91: {  	v4 =	vperm.xlane v3, v0;
	_ =	sdelay $0x1  }
0x92: {  	v4 =	vadd.s32 v1, v4;
	_ =	sdelay $0x1  }
0x93: {  	v3 =	vperm.xlane v3, v2;
	_ =	sdelay $0x1  }
0x94: {  	v3 =	vadd.s32 v1, v3  }
0x95: {  	[tilespmem:s28], [sflag:$0x1] =	stream.indirect_vreg.gather [hbm4b:s3+s2], $0x80, v4, vm0, $0xb8;
	[tilespmem:$0xC080] =	vst v63  }
0x96: {  	_ = 	snop  }
0x97: {  	[tilespmem:s29], [sflag:$0x1] =	stream.indirect_vreg.gather [hbm4b:s4+s2], $0x80, v4, vm1, $0xb8;
	[tilespmem:$0xC080] =	vst v63  }
0x98: {  	_ = 	snop  }
0x99: {  	[tilespmem:s30], [sflag:$0x1] =	stream.indirect_vreg.gather [hbm4b:s3+s2], $0x80, v3, vm0, $0xb8;
	[tilespmem:$0xC080] =	vst v63  }
0x9a: {  	_ = 	snop  }
0x9b: {  	[tilespmem:s31], [sflag:$0x1] =	stream.indirect_vreg.gather [hbm4b:s4+s2], $0x80, v3, vm1, $0xb8;
	[tilespmem:$0xC080] =	vst v63  }
0x9c: {  	_ =	swait.ge [sflag:s1], $0xC000  }
0x9d: {  	p0 =	sne.s32 s5, $0x1;
	[sflag:s1] =	ssyncset.done $0x0  }
.Ltmp0:
0x9e: {  	s8 =	rddreg [dreg:$0x4];
	[sflag:s1] =	ssyncadd.s32 $0xFFFF4000;
	(pc) =	sbr.rel @p0 .LBB2_1-.Ltmp0, $4  }
0x9f: {  	[hbm4b:s8+s2] =	stream.linear.scatter [tilespmem:s7], [sflag:$0x2], $0xC000, $0x38;
	[tilespmem:$0xC080] =	vst v63  }
0xa0: {  	_ =	swait.ge [sflag:s6], $0xC000  }
0xa1: {  	[sflag:s6] =	ssyncset.done $0x0  }
0xa2: {  	s5 =	sadd.s32 $0xFFFFFFFF, s5;
	[sflag:s6] =	ssyncadd.s32 $0xFFFF4000  }
0xa3: {  	_ =	sfence.sel $0x180000  }
0xa4: {  	[bflag:$0x0] =	sbarrier.arrive $0xFFFF  }
0xa5: {  	_ =	strace $0x9000004A  }
0xa6: {  	s0 =	stileid.u32;
	[bflag:$0x2] =	sbarrier.arrive $0xFFFF  }
0xa7: {  	p0 =	sne.s32 s0, $0x0;
	s0 =	rddreg [dreg:$0x2]  }
0xa8: {  	s0 =	sadd.s32 @!p0 $0x100000, s0  }
0xa9: {  	[sflag:s0] =	ssyncadd.tile.s32 @!p0 $0x1;
	_ =	shalt  }
.Lfunc_end2:
_tile_overlayer_lowered:
.L_overlay_start_2:
0xaa: {  	(tag) =	ssettag $0x2  }
0xab: {  	s0 =	rddreg [dreg:$0x0];
	s2 =	stileid.u32  }
0xac: {  	s1 =	rddreg [dreg:$0x1];
	p0 =	sne.s32 s2, $0x0  }
0xad: {  	s3 =	rddreg [dreg:$0x2];
	[bflag:$0x3] =	sbarrier.arrive $0xFFFF;
	s2 =	simm.s32 @!p0 $0x1C02  }
0xae: {  	[timem:s3], [sflag:s2] =	dma.local @!p0 [hbm:s0], s1  }
0xaf: {  	s0 =	simm.s32 @!p0 $0x2  }
0xb0: {  	_ =	swait.ge @!p0 [sflag:s0], s1  }
0xb1: {  	s1 =	ssub.s32 @!p0 $0x0, s1;
	[sflag:s0] =	ssyncset.done @!p0 $0x0  }
0xb2: {  	[sflag:s0] =	ssyncadd.s32 @!p0 s1  }
0xb3: {  	[bflag:$0x3] =	sbarrier.arrive $0xFFFF  }
0xb4: {  	_ =	shalt  }

</sc_bundles>
